<compile_context>
chip_gen: v7x
topology: tpu7x:2x2x1
jax: 0.10.2.dev20260603
libtpu: 0.0.44.dev20260713+nightly
codegen_flags: <defaults>
</compile_context>

<pallas_src>
import functools

import jax
import jax.numpy as jnp
from jax import lax
from jax.experimental import pallas as pl
from jax.experimental.pallas import tpu as pltpu
from jax.experimental.pallas import tpu_sc as plsc

_DIM = 32
_NC = 2
_NS = 16
_NW = _NC * _NS
_CHUNK = 800
_NBUF = 4

_VOCAB = 1000000
_TBLK = 16384
_Q = _TBLK // 4
_NBLK = (_VOCAB + _TBLK - 1) // _TBLK
_NLINES = _NBLK * _Q

_B = 4096
_J = 200


def _repack_body(wt_ref, w4_ref):
  blk = wt_ref[...]
  t = jnp.transpose(blk)
  w4_ref[...] = jnp.concatenate(
      [t[q * _Q:(q + 1) * _Q, :] for q in range(4)], axis=1)


def _repack_table(wt):
  return pl.pallas_call(
      _repack_body,
      grid=(_NBLK,),
      in_specs=[pl.BlockSpec((_DIM, _TBLK), lambda i: (0, i))],
      out_specs=pl.BlockSpec((_Q, 128), lambda i: (i, 0)),
      out_shape=jax.ShapeDtypeStruct((_NLINES, 128), jnp.float32),
  )(wt)


_mesh = plsc.VectorSubcoreMesh(core_axis_name="c", subcore_axis_name="s")

_B_PER_W = _B * _J // _NW
_N_CHUNKS = _B_PER_W // _CHUNK
_ROWS_PER_CHUNK = _CHUNK // _J


@functools.partial(
    pl.kernel,
    mesh=_mesh,
    out_type=jax.ShapeDtypeStruct((_B * _J, _DIM), jnp.float32),
    scratch_types=[
        pltpu.VMEM((_B_PER_W,), jnp.int32),
        pltpu.VMEM((_NBUF, _CHUNK, _DIM), jnp.float32),
        pltpu.SemaphoreType.DMA((_NBUF,)),
        pltpu.SemaphoreType.DMA((_NBUF,)),
    ],
    compiler_params=pltpu.CompilerParams(use_tc_tiling_on_sc=False),
)
def _emb(idx_hbm, table_hbm, out_hbm, idx_full, bufs, gsems, wsems):
  wid = lax.axis_index("s") * _NC + lax.axis_index("c")
  base = wid * _B_PER_W
  row0 = wid * (_B // _NW)
  pltpu.sync_copy(idx_hbm.at[pl.ds(base, _B_PER_W)], idx_full)

  qshift = _Q.bit_length() - 1

  def remap(k, _):
    v = idx_full[pl.ds(k * 16, 16)]
    p = (v & -_TBLK) | ((v & (_Q - 1)) << 2) | ((v >> qshift) & 3)
    idx_full[pl.ds(k * 16, 16)] = p
    return 0

  lax.fori_loop(0, _B_PER_W // 16, remap, 0)

  def gather(i, b):
    return pltpu.make_async_copy(
        table_hbm.at[idx_full.at[pl.ds(i * _CHUNK, _CHUNK)]],
        bufs.at[b],
        gsems.at[b],
    )

  def wb(i, b):
    return pltpu.make_async_copy(
        bufs.at[b],
        out_hbm.at[pl.ds(base + i * _CHUNK, _CHUNK)],
        wsems.at[b],
    )

  def slot(i, b, do_a, do_b):
    if do_a:
      wb(i - 1, (b - 1) % _NBUF).wait()
    if do_b:
      gather(i + _NBUF - 1, (b - 1) % _NBUF).start()
    gather(i, b).wait()
    wb(i, b).start()

  for b in range(_NBUF):
    gather(b, b).start()

  slot(0, 0, False, False)
  for b in range(1, _NBUF):
    slot(b, b, True, True)

  def body(g, _):
    i0 = g * _NBUF
    for b in range(_NBUF):
      slot(i0 + b, b, True, True)
    return 0

  lax.fori_loop(1, _N_CHUNKS // _NBUF - 1, body, 0)

  i0 = _N_CHUNKS - _NBUF
  slot(i0, 0, True, True)
  for b in range(1, _NBUF):
    slot(i0 + b, b, True, False)

  wb(_N_CHUNKS - 1, _NBUF - 1).wait()


def kernel(x, weight):
  wt = jnp.transpose(weight)
  w4 = _repack_table(wt)
  w_row = w4.reshape(_NLINES * 4, _DIM)
  out = _emb(x.reshape(-1), w_row)
  return out.reshape(_B, _J, _DIM)

# --- scband reference (transcript-rebuilt; emitter-appended) ---
"""Pipeline reference for scband-embedder-21122649162290 (READ-ONLY COPY).

The authoritative reference and input builder live on the scoring server;
editing this copy changes nothing except your own understanding.
"""

import jax, jax.numpy as jnp
import numpy as np

VOCAB = 1000000
DIM = 32
PAD = 0


def setup_inputs(seed: int = 0) -> dict:
    key = jax.random.key(seed)
    k1, k2 = jax.random.split(key)
    x = jax.random.randint(k1, (4096, 200), 0, VOCAB, dtype=jnp.int32)
    weight = jax.random.normal(k2, (VOCAB, DIM), dtype=jnp.float32)
    weight = weight.at[PAD].set(0.0)
    return {"x": x, "weight": weight}


def reference(x, weight):
    # nn.Embedding with padding_idx: row PAD is held at zero
    w = weight.at[PAD].set(0.0)
    out = jnp.take(w, x, axis=0)
    return out

if __name__ == "__main__":
    import jax
    _d = setup_inputs()
    print(jax.jit(kernel)(*tuple(_d.values())))

</pallas_src>

<mosaic_0001>
#map = affine_map<(d0, d1) -> (0)>
#map1 = affine_map<(d0, d1) -> (0, 0)>
module attributes {stable_mosaic.version = 14 : i64} {
  func.func @_emb(%arg0: i32, %arg1: i32, %arg2: memref<819200xi32, #tpu.memory_space<hbm>>, %arg3: memref<1015808x32xf32, #tpu.memory_space<hbm>>, %arg4: memref<819200x32xf32, #tpu.memory_space<hbm>>, %arg5: memref<25600xi32, #tpu.memory_space<vmem>>, %arg6: memref<4x800x32xf32, #tpu.memory_space<vmem>>, %arg7: memref<4x!tpu.dma_semaphore, #tpu.memory_space<semaphore_mem>>, %arg8: memref<4x!tpu.dma_semaphore, #tpu.memory_space<semaphore_mem>>) attributes {dimension_semantics = [#tpu.dimension_semantics<core_parallel>, #tpu.dimension_semantics<subcore_parallel>], iteration_bounds = array<i64: 2, 16>, scalar_prefetch = 0 : i64, scratch_operands = 4 : i64, tpu.core_type = #tpu.core_type<sc_vector_subcore>, window_params = [{transform_indices = #map}, {transform_indices = #map1}, {transform_indices = #map1}]} {
    %mul3A = arith.constant 2 : i32
    %mul3A_0 = arith.muli %arg1, %mul3A : i32
    %add3A = arith.addi %mul3A_0, %arg0 : i32
    %mul3A_1 = arith.constant 25600 : i32
    %mul3A_2 = arith.muli %add3A, %mul3A_1 : i32
    %mul3A_3 = arith.constant 128 : i32
    %mul3A_4 = arith.muli %add3A, %mul3A_3 : i32
    "tpu.region"() ({
      %run_scoped3A = tpu.sem_alloc : memref<!tpu.dma_semaphore, #tpu.memory_space<semaphore_mem>>
      %dma_start3A_512 = tpu.memref_slice %arg2[%mul3A_2] : memref<819200xi32, #tpu.memory_space<hbm>> -> memref<25600xi32, #tpu.memory_space<hbm>>
      %dma_start3A_513 = tpu.memref_slice %arg2[%mul3A_2] : memref<819200xi32, #tpu.memory_space<hbm>> -> memref<25600xi32, #tpu.memory_space<hbm>>
      tpu.enqueue_dma source(%dma_start3A_513 : memref<25600xi32, #tpu.memory_space<hbm>>) target(%arg5 : memref<25600xi32, #tpu.memory_space<vmem>>) target_semaphore(%run_scoped3A : memref<!tpu.dma_semaphore, #tpu.memory_space<semaphore_mem>>)
      %dma_wait3A_514 = tpu.memref_slice %arg2[%mul3A_2] : memref<819200xi32, #tpu.memory_space<hbm>> -> memref<25600xi32, #tpu.memory_space<hbm>>
      %dma_wait3A_515 = tpu.memref_slice %arg2[%mul3A_2] : memref<819200xi32, #tpu.memory_space<hbm>> -> memref<25600xi32, #tpu.memory_space<hbm>>
      tpu.wait_dma2 semaphore(%run_scoped3A : memref<!tpu.dma_semaphore, #tpu.memory_space<semaphore_mem>>) src(%dma_wait3A_515 : memref<25600xi32, #tpu.memory_space<hbm>>) dst(%arg5 : memref<25600xi32, #tpu.memory_space<vmem>>)
      tpu.yield
    }) : () -> ()
    %scan3A = arith.constant 0 : i32
    %scan3A_5 = arith.constant 0 : i32
    %scan3A_6 = arith.constant 1600 : i32
    %scan3A_7 = arith.addi %scan3A_5, %scan3A_6 : i32
    %scan3A_8 = arith.constant 1 : i32
    %scan3A_9 = scf.for %scan3A_512 = %scan3A_5 to %scan3A_7 step %scan3A_8 iter_args(%scan3A_513 = %scan3A) -> (i32)  : i32 {
      %mul3A_514 = arith.constant 16 : i32
      %mul3A_515 = arith.muli %scan3A_512, %mul3A_514 : i32
      %get3A = arith.index_cast %mul3A_515 : i32 to index
      %get3A_516 = tpu.vector_load %arg5[%get3A] {strides = array<i32>} : memref<25600xi32, #tpu.memory_space<vmem>>, vector<16xi32>,
      %get3A_517 = vector.shape_cast %get3A_516 : vector<16xi32> to vector<16xi32>
      %and3A = arith.constant -16384 : i32
      %and3A_518 = vector.broadcast %and3A : i32 to vector<16xi32>
      %and3A_519 = arith.andi %get3A_517, %and3A_518 : vector<16xi32>
      %and3A_520 = arith.constant 4095 : i32
      %and3A_521 = vector.broadcast %and3A_520 : i32 to vector<16xi32>
      %and3A_522 = arith.andi %get3A_517, %and3A_521 : vector<16xi32>
      %shift_left3A = arith.constant 2 : i32
      %shift_left3A_523 = vector.broadcast %shift_left3A : i32 to vector<16xi32>
      %shift_left3A_524 = arith.shli %and3A_522, %shift_left3A_523 : vector<16xi32>
      %or3A = arith.ori %and3A_519, %shift_left3A_524 : vector<16xi32>
      %shift_right_arithmetic3A = arith.constant 12 : i32
      %shift_right_arithmetic3A_525 = vector.broadcast %shift_right_arithmetic3A : i32 to vector<16xi32>
      %shift_right_arithmetic3A_526 = arith.shrsi %get3A_517, %shift_right_arithmetic3A_525 : vector<16xi32>
      %and3A_527 = arith.constant 3 : i32
      %and3A_528 = vector.broadcast %and3A_527 : i32 to vector<16xi32>
      %and3A_529 = arith.andi %shift_right_arithmetic3A_526, %and3A_528 : vector<16xi32>
      %or3A_530 = arith.ori %or3A, %and3A_529 : vector<16xi32>
      %mul3A_531 = arith.constant 16 : i32
      %mul3A_532 = arith.muli %scan3A_512, %mul3A_531 : i32
      %swap3A = arith.index_cast %mul3A_532 : i32 to index
      %swap3A_533 = tpu.vector_load %arg5[%swap3A] {strides = array<i32>} : memref<25600xi32, #tpu.memory_space<vmem>>, vector<16xi32>,
      %swap3A_534 = vector.shape_cast %swap3A_533 : vector<16xi32> to vector<16xi32>
      %swap3A_535 = vector.shape_cast %or3A_530 : vector<16xi32> to vector<16xi32>
      tpu.vector_store %arg5[%swap3A], %swap3A_535 {strides = array<i32>} : memref<25600xi32, #tpu.memory_space<vmem>>, vector<16xi32>,
      %scan3A_536 = arith.constant 0 : i32
      scf.yield %scan3A_536 : i32
    }
    %scan3A_10 = arith.constant 1600 : i32
    %dma_start3A = arith.constant 0 : i32
    %dma_start3A_11 = arith.constant 0 : i32
    %dma_start3A_12 = arith.constant 0 : i32
    %dma_start3A_13 = arith.constant 0 : i32
    %dma_start3A_14 = tpu.memref_slice %arg6[%dma_start3A, %dma_start3A_12, %dma_start3A_13] : memref<4x800x32xf32, #tpu.memory_space<vmem>> -> memref<1x800x32xf32, #tpu.memory_space<vmem>>
    %dma_start3A_15 = tpu.memref_squeeze %dma_start3A_14 : memref<1x800x32xf32, #tpu.memory_space<vmem>> -> memref<800x32xf32, #tpu.memory_space<vmem>>
    %dma_start3A_16 = arith.constant 0 : i32
    %dma_start3A_17 = tpu.memref_slice %arg5[%dma_start3A_16] : memref<25600xi32, #tpu.memory_space<vmem>> -> memref<800xi32, #tpu.memory_space<vmem>>
    %dma_start3A_18 = arith.constant 0 : i32
    %dma_start3A_19 = arith.constant 0 : i32
    %dma_start3A_20 = tpu.memref_slice %arg3[%dma_start3A_18, %dma_start3A_19] : memref<1015808x32xf32, #tpu.memory_space<hbm>> -> memref<1015808x32xf32, #tpu.memory_space<hbm>>
    %dma_start3A_21 = tpu.memref_slice %arg7[%dma_start3A_11] : memref<4x!tpu.dma_semaphore, #tpu.memory_space<semaphore_mem>> -> memref<1x!tpu.dma_semaphore, #tpu.memory_space<semaphore_mem>>
    %dma_start3A_22 = tpu.memref_squeeze %dma_start3A_21 : memref<1x!tpu.dma_semaphore, #tpu.memory_space<semaphore_mem>> -> memref<!tpu.dma_semaphore, #tpu.memory_space<semaphore_mem>>
    tpu.enqueue_indirect_dma source(%dma_start3A_20 : memref<1015808x32xf32, #tpu.memory_space<hbm>>) target(%dma_start3A_15 : memref<800x32xf32, #tpu.memory_space<vmem>>) offsets(%dma_start3A_17 : memref<800xi32, #tpu.memory_space<vmem>>) semaphore(%dma_start3A_22 : memref<!tpu.dma_semaphore, #tpu.memory_space<semaphore_mem>>)
    %dma_start3A_23 = arith.constant 1 : i32
    %dma_start3A_24 = arith.constant 1 : i32
    %dma_start3A_25 = arith.constant 0 : i32
    %dma_start3A_26 = arith.constant 0 : i32
    %dma_start3A_27 = tpu.memref_slice %arg6[%dma_start3A_23, %dma_start3A_25, %dma_start3A_26] : memref<4x800x32xf32, #tpu.memory_space<vmem>> -> memref<1x800x32xf32, #tpu.memory_space<vmem>>
    %dma_start3A_28 = tpu.memref_squeeze %dma_start3A_27 : memref<1x800x32xf32, #tpu.memory_space<vmem>> -> memref<800x32xf32, #tpu.memory_space<vmem>>
    %dma_start3A_29 = arith.constant 800 : i32
    %dma_start3A_30 = tpu.memref_slice %arg5[%dma_start3A_29] : memref<25600xi32, #tpu.memory_space<vmem>> -> memref<800xi32, #tpu.memory_space<vmem>>
    %dma_start3A_31 = arith.constant 0 : i32
    %dma_start3A_32 = arith.constant 0 : i32
    %dma_start3A_33 = tpu.memref_slice %arg3[%dma_start3A_31, %dma_start3A_32] : memref<1015808x32xf32, #tpu.memory_space<hbm>> -> memref<1015808x32xf32, #tpu.memory_space<hbm>>
    %dma_start3A_34 = tpu.memref_slice %arg7[%dma_start3A_24] : memref<4x!tpu.dma_semaphore, #tpu.memory_space<semaphore_mem>> -> memref<1x!tpu.dma_semaphore, #tpu.memory_space<semaphore_mem>>
    %dma_start3A_35 = tpu.memref_squeeze %dma_start3A_34 : memref<1x!tpu.dma_semaphore, #tpu.memory_space<semaphore_mem>> -> memref<!tpu.dma_semaphore, #tpu.memory_space<semaphore_mem>>
    tpu.enqueue_indirect_dma source(%dma_start3A_33 : memref<1015808x32xf32, #tpu.memory_space<hbm>>) target(%dma_start3A_28 : memref<800x32xf32, #tpu.memory_space<vmem>>) offsets(%dma_start3A_30 : memref<800xi32, #tpu.memory_space<vmem>>) semaphore(%dma_start3A_35 : memref<!tpu.dma_semaphore, #tpu.memory_space<semaphore_mem>>)
    %dma_start3A_36 = arith.constant 2 : i32
    %dma_start3A_37 = arith.constant 2 : i32
    %dma_start3A_38 = arith.constant 0 : i32
    %dma_start3A_39 = arith.constant 0 : i32
    %dma_start3A_40 = tpu.memref_slice %arg6[%dma_start3A_36, %dma_start3A_38, %dma_start3A_39] : memref<4x800x32xf32, #tpu.memory_space<vmem>> -> memref<1x800x32xf32, #tpu.memory_space<vmem>>
    %dma_start3A_41 = tpu.memref_squeeze %dma_start3A_40 : memref<1x800x32xf32, #tpu.memory_space<vmem>> -> memref<800x32xf32, #tpu.memory_space<vmem>>
    %dma_start3A_42 = arith.constant 1600 : i32
    %dma_start3A_43 = tpu.memref_slice %arg5[%dma_start3A_42] : memref<25600xi32, #tpu.memory_space<vmem>> -> memref<800xi32, #tpu.memory_space<vmem>>
    %dma_start3A_44 = arith.constant 0 : i32
    %dma_start3A_45 = arith.constant 0 : i32
    %dma_start3A_46 = tpu.memref_slice %arg3[%dma_start3A_44, %dma_start3A_45] : memref<1015808x32xf32, #tpu.memory_space<hbm>> -> memref<1015808x32xf32, #tpu.memory_space<hbm>>
    %dma_start3A_47 = tpu.memref_slice %arg7[%dma_start3A_37] : memref<4x!tpu.dma_semaphore, #tpu.memory_space<semaphore_mem>> -> memref<1x!tpu.dma_semaphore, #tpu.memory_space<semaphore_mem>>
    %dma_start3A_48 = tpu.memref_squeeze %dma_start3A_47 : memref<1x!tpu.dma_semaphore, #tpu.memory_space<semaphore_mem>> -> memref<!tpu.dma_semaphore, #tpu.memory_space<semaphore_mem>>
    tpu.enqueue_indirect_dma source(%dma_start3A_46 : memref<1015808x32xf32, #tpu.memory_space<hbm>>) target(%dma_start3A_41 : memref<800x32xf32, #tpu.memory_space<vmem>>) offsets(%dma_start3A_43 : memref<800xi32, #tpu.memory_space<vmem>>) semaphore(%dma_start3A_48 : memref<!tpu.dma_semaphore, #tpu.memory_space<semaphore_mem>>)
    %dma_start3A_49 = arith.constant 3 : i32
    %dma_start3A_50 = arith.constant 3 : i32
    %dma_start3A_51 = arith.constant 0 : i32
    %dma_start3A_52 = arith.constant 0 : i32
    %dma_start3A_53 = tpu.memref_slice %arg6[%dma_start3A_49, %dma_start3A_51, %dma_start3A_52] : memref<4x800x32xf32, #tpu.memory_space<vmem>> -> memref<1x800x32xf32, #tpu.memory_space<vmem>>
    %dma_start3A_54 = tpu.memref_squeeze %dma_start3A_53 : memref<1x800x32xf32, #tpu.memory_space<vmem>> -> memref<800x32xf32, #tpu.memory_space<vmem>>
    %dma_start3A_55 = arith.constant 2400 : i32
    %dma_start3A_56 = tpu.memref_slice %arg5[%dma_start3A_55] : memref<25600xi32, #tpu.memory_space<vmem>> -> memref<800xi32, #tpu.memory_space<vmem>>
    %dma_start3A_57 = arith.constant 0 : i32
    %dma_start3A_58 = arith.constant 0 : i32
    %dma_start3A_59 = tpu.memref_slice %arg3[%dma_start3A_57, %dma_start3A_58] : memref<1015808x32xf32, #tpu.memory_space<hbm>> -> memref<1015808x32xf32, #tpu.memory_space<hbm>>
    %dma_start3A_60 = tpu.memref_slice %arg7[%dma_start3A_50] : memref<4x!tpu.dma_semaphore, #tpu.memory_space<semaphore_mem>> -> memref<1x!tpu.dma_semaphore, #tpu.memory_space<semaphore_mem>>
    %dma_start3A_61 = tpu.memref_squeeze %dma_start3A_60 : memref<1x!tpu.dma_semaphore, #tpu.memory_space<semaphore_mem>> -> memref<!tpu.dma_semaphore, #tpu.memory_space<semaphore_mem>>
    tpu.enqueue_indirect_dma source(%dma_start3A_59 : memref<1015808x32xf32, #tpu.memory_space<hbm>>) target(%dma_start3A_54 : memref<800x32xf32, #tpu.memory_space<vmem>>) offsets(%dma_start3A_56 : memref<800xi32, #tpu.memory_space<vmem>>) semaphore(%dma_start3A_61 : memref<!tpu.dma_semaphore, #tpu.memory_space<semaphore_mem>>)
    %dma_wait3A = arith.constant 0 : i32
    %dma_wait3A_62 = arith.constant 0 : i32
    %dma_wait3A_63 = arith.constant 0 : i32
    %dma_wait3A_64 = arith.constant 0 : i32
    %dma_wait3A_65 = tpu.memref_slice %arg6[%dma_wait3A, %dma_wait3A_63, %dma_wait3A_64] : memref<4x800x32xf32, #tpu.memory_space<vmem>> -> memref<1x800x32xf32, #tpu.memory_space<vmem>>
    %dma_wait3A_66 = tpu.memref_squeeze %dma_wait3A_65 : memref<1x800x32xf32, #tpu.memory_space<vmem>> -> memref<800x32xf32, #tpu.memory_space<vmem>>
    %dma_wait3A_67 = arith.constant 0 : i32
    %dma_wait3A_68 = tpu.memref_slice %arg5[%dma_wait3A_67] : memref<25600xi32, #tpu.memory_space<vmem>> -> memref<800xi32, #tpu.memory_space<vmem>>
    %dma_wait3A_69 = arith.constant 0 : i32
    %dma_wait3A_70 = arith.constant 0 : i32
    %dma_wait3A_71 = tpu.memref_slice %arg3[%dma_wait3A_69, %dma_wait3A_70] : memref<1015808x32xf32, #tpu.memory_space<hbm>> -> memref<1015808x32xf32, #tpu.memory_space<hbm>>
    %dma_wait3A_72 = tpu.memref_slice %arg7[%dma_wait3A_62] : memref<4x!tpu.dma_semaphore, #tpu.memory_space<semaphore_mem>> -> memref<1x!tpu.dma_semaphore, #tpu.memory_space<semaphore_mem>>
    %dma_wait3A_73 = tpu.memref_squeeze %dma_wait3A_72 : memref<1x!tpu.dma_semaphore, #tpu.memory_space<semaphore_mem>> -> memref<!tpu.dma_semaphore, #tpu.memory_space<semaphore_mem>>
    tpu.wait_indirect_dma semaphore(%dma_wait3A_73 : memref<!tpu.dma_semaphore, #tpu.memory_space<semaphore_mem>>) src(%dma_wait3A_71 : memref<1015808x32xf32, #tpu.memory_space<hbm>>) dst(%dma_wait3A_66 : memref<800x32xf32, #tpu.memory_space<vmem>>)
    %add3A_74 = arith.constant 0 : i32
    %add3A_75 = arith.addi %mul3A_2, %add3A_74 : i32
    %dma_start3A_76 = arith.constant 0 : i32
    %dma_start3A_77 = arith.constant 0 : i32
    %dma_start3A_78 = arith.constant 0 : i32
    %dma_start3A_79 = arith.constant 0 : i32
    %dma_start3A_80 = tpu.memref_slice %arg6[%dma_start3A_76, %dma_start3A_78, %dma_start3A_79] : memref<4x800x32xf32, #tpu.memory_space<vmem>> -> memref<1x800x32xf32, #tpu.memory_space<vmem>>
    %dma_start3A_81 = tpu.memref_squeeze %dma_start3A_80 : memref<1x800x32xf32, #tpu.memory_space<vmem>> -> memref<800x32xf32, #tpu.memory_space<vmem>>
    %dma_start3A_82 = arith.constant 0 : i32
    %dma_start3A_83 = tpu.memref_slice %arg4[%add3A_75, %dma_start3A_82] : memref<819200x32xf32, #tpu.memory_space<hbm>> -> memref<800x32xf32, #tpu.memory_space<hbm>>
    %dma_start3A_84 = tpu.memref_slice %arg8[%dma_start3A_77] : memref<4x!tpu.dma_semaphore, #tpu.memory_space<semaphore_mem>> -> memref<1x!tpu.dma_semaphore, #tpu.memory_space<semaphore_mem>>
    %dma_start3A_85 = tpu.memref_squeeze %dma_start3A_84 : memref<1x!tpu.dma_semaphore, #tpu.memory_space<semaphore_mem>> -> memref<!tpu.dma_semaphore, #tpu.memory_space<semaphore_mem>>
    %dma_start3A_86 = arith.constant 0 : i32
    %dma_start3A_87 = tpu.memref_slice %arg4[%add3A_75, %dma_start3A_86] : memref<819200x32xf32, #tpu.memory_space<hbm>> -> memref<800x32xf32, #tpu.memory_space<hbm>>
    %dma_start3A_88 = arith.constant 0 : i32
    %dma_start3A_89 = arith.constant 0 : i32
    %dma_start3A_90 = tpu.memref_slice %arg6[%dma_start3A_76, %dma_start3A_88, %dma_start3A_89] : memref<4x800x32xf32, #tpu.memory_space<vmem>> -> memref<1x800x32xf32, #tpu.memory_space<vmem>>
    %dma_start3A_91 = tpu.memref_squeeze %dma_start3A_90 : memref<1x800x32xf32, #tpu.memory_space<vmem>> -> memref<800x32xf32, #tpu.memory_space<vmem>>
    tpu.enqueue_dma source(%dma_start3A_91 : memref<800x32xf32, #tpu.memory_space<vmem>>) target(%dma_start3A_87 : memref<800x32xf32, #tpu.memory_space<hbm>>) target_semaphore(%dma_start3A_85 : memref<!tpu.dma_semaphore, #tpu.memory_space<semaphore_mem>>)
    %add3A_92 = arith.constant 0 : i32
    %add3A_93 = arith.addi %mul3A_2, %add3A_92 : i32
    %dma_wait3A_94 = arith.constant 0 : i32
    %dma_wait3A_95 = arith.constant 0 : i32
    %dma_wait3A_96 = arith.constant 0 : i32
    %dma_wait3A_97 = arith.constant 0 : i32
    %dma_wait3A_98 = tpu.memref_slice %arg6[%dma_wait3A_94, %dma_wait3A_96, %dma_wait3A_97] : memref<4x800x32xf32, #tpu.memory_space<vmem>> -> memref<1x800x32xf32, #tpu.memory_space<vmem>>
    %dma_wait3A_99 = tpu.memref_squeeze %dma_wait3A_98 : memref<1x800x32xf32, #tpu.memory_space<vmem>> -> memref<800x32xf32, #tpu.memory_space<vmem>>
    %dma_wait3A_100 = arith.constant 0 : i32
    %dma_wait3A_101 = tpu.memref_slice %arg4[%add3A_93, %dma_wait3A_100] : memref<819200x32xf32, #tpu.memory_space<hbm>> -> memref<800x32xf32, #tpu.memory_space<hbm>>
    %dma_wait3A_102 = tpu.memref_slice %arg8[%dma_wait3A_95] : memref<4x!tpu.dma_semaphore, #tpu.memory_space<semaphore_mem>> -> memref<1x!tpu.dma_semaphore, #tpu.memory_space<semaphore_mem>>
    %dma_wait3A_103 = tpu.memref_squeeze %dma_wait3A_102 : memref<1x!tpu.dma_semaphore, #tpu.memory_space<semaphore_mem>> -> memref<!tpu.dma_semaphore, #tpu.memory_space<semaphore_mem>>
    %dma_wait3A_104 = arith.constant 0 : i32
    %dma_wait3A_105 = tpu.memref_slice %arg4[%add3A_93, %dma_wait3A_104] : memref<819200x32xf32, #tpu.memory_space<hbm>> -> memref<800x32xf32, #tpu.memory_space<hbm>>
    %dma_wait3A_106 = arith.constant 0 : i32
    %dma_wait3A_107 = arith.constant 0 : i32
    %dma_wait3A_108 = tpu.memref_slice %arg6[%dma_wait3A_94, %dma_wait3A_106, %dma_wait3A_107] : memref<4x800x32xf32, #tpu.memory_space<vmem>> -> memref<1x800x32xf32, #tpu.memory_space<vmem>>
    %dma_wait3A_109 = tpu.memref_squeeze %dma_wait3A_108 : memref<1x800x32xf32, #tpu.memory_space<vmem>> -> memref<800x32xf32, #tpu.memory_space<vmem>>
    tpu.wait_dma2 semaphore(%dma_wait3A_103 : memref<!tpu.dma_semaphore, #tpu.memory_space<semaphore_mem>>) src(%dma_wait3A_109 : memref<800x32xf32, #tpu.memory_space<vmem>>) dst(%dma_wait3A_105 : memref<800x32xf32, #tpu.memory_space<hbm>>)
    %dma_start3A_110 = arith.constant 0 : i32
    %dma_start3A_111 = arith.constant 0 : i32
    %dma_start3A_112 = arith.constant 0 : i32
    %dma_start3A_113 = arith.constant 0 : i32
    %dma_start3A_114 = tpu.memref_slice %arg6[%dma_start3A_110, %dma_start3A_112, %dma_start3A_113] : memref<4x800x32xf32, #tpu.memory_space<vmem>> -> memref<1x800x32xf32, #tpu.memory_space<vmem>>
    %dma_start3A_115 = tpu.memref_squeeze %dma_start3A_114 : memref<1x800x32xf32, #tpu.memory_space<vmem>> -> memref<800x32xf32, #tpu.memory_space<vmem>>
    %dma_start3A_116 = arith.constant 3200 : i32
    %dma_start3A_117 = tpu.memref_slice %arg5[%dma_start3A_116] : memref<25600xi32, #tpu.memory_space<vmem>> -> memref<800xi32, #tpu.memory_space<vmem>>
    %dma_start3A_118 = arith.constant 0 : i32
    %dma_start3A_119 = arith.constant 0 : i32
    %dma_start3A_120 = tpu.memref_slice %arg3[%dma_start3A_118, %dma_start3A_119] : memref<1015808x32xf32, #tpu.memory_space<hbm>> -> memref<1015808x32xf32, #tpu.memory_space<hbm>>
    %dma_start3A_121 = tpu.memref_slice %arg7[%dma_start3A_111] : memref<4x!tpu.dma_semaphore, #tpu.memory_space<semaphore_mem>> -> memref<1x!tpu.dma_semaphore, #tpu.memory_space<semaphore_mem>>
    %dma_start3A_122 = tpu.memref_squeeze %dma_start3A_121 : memref<1x!tpu.dma_semaphore, #tpu.memory_space<semaphore_mem>> -> memref<!tpu.dma_semaphore, #tpu.memory_space<semaphore_mem>>
    tpu.enqueue_indirect_dma source(%dma_start3A_120 : memref<1015808x32xf32, #tpu.memory_space<hbm>>) target(%dma_start3A_115 : memref<800x32xf32, #tpu.memory_space<vmem>>) offsets(%dma_start3A_117 : memref<800xi32, #tpu.memory_space<vmem>>) semaphore(%dma_start3A_122 : memref<!tpu.dma_semaphore, #tpu.memory_space<semaphore_mem>>)
    %dma_wait3A_123 = arith.constant 1 : i32
    %dma_wait3A_124 = arith.constant 1 : i32
    %dma_wait3A_125 = arith.constant 0 : i32
    %dma_wait3A_126 = arith.constant 0 : i32
    %dma_wait3A_127 = tpu.memref_slice %arg6[%dma_wait3A_123, %dma_wait3A_125, %dma_wait3A_126] : memref<4x800x32xf32, #tpu.memory_space<vmem>> -> memref<1x800x32xf32, #tpu.memory_space<vmem>>
    %dma_wait3A_128 = tpu.memref_squeeze %dma_wait3A_127 : memref<1x800x32xf32, #tpu.memory_space<vmem>> -> memref<800x32xf32, #tpu.memory_space<vmem>>
    %dma_wait3A_129 = arith.constant 800 : i32
    %dma_wait3A_130 = tpu.memref_slice %arg5[%dma_wait3A_129] : memref<25600xi32, #tpu.memory_space<vmem>> -> memref<800xi32, #tpu.memory_space<vmem>>
    %dma_wait3A_131 = arith.constant 0 : i32
    %dma_wait3A_132 = arith.constant 0 : i32
    %dma_wait3A_133 = tpu.memref_slice %arg3[%dma_wait3A_131, %dma_wait3A_132] : memref<1015808x32xf32, #tpu.memory_space<hbm>> -> memref<1015808x32xf32, #tpu.memory_space<hbm>>
    %dma_wait3A_134 = tpu.memref_slice %arg7[%dma_wait3A_124] : memref<4x!tpu.dma_semaphore, #tpu.memory_space<semaphore_mem>> -> memref<1x!tpu.dma_semaphore, #tpu.memory_space<semaphore_mem>>
    %dma_wait3A_135 = tpu.memref_squeeze %dma_wait3A_134 : memref<1x!tpu.dma_semaphore, #tpu.memory_space<semaphore_mem>> -> memref<!tpu.dma_semaphore, #tpu.memory_space<semaphore_mem>>
    tpu.wait_indirect_dma semaphore(%dma_wait3A_135 : memref<!tpu.dma_semaphore, #tpu.memory_space<semaphore_mem>>) src(%dma_wait3A_133 : memref<1015808x32xf32, #tpu.memory_space<hbm>>) dst(%dma_wait3A_128 : memref<800x32xf32, #tpu.memory_space<vmem>>)
    %add3A_136 = arith.constant 800 : i32
    %add3A_137 = arith.addi %mul3A_2, %add3A_136 : i32
    %dma_start3A_138 = arith.constant 1 : i32
    %dma_start3A_139 = arith.constant 1 : i32
    %dma_start3A_140 = arith.constant 0 : i32
    %dma_start3A_141 = arith.constant 0 : i32
    %dma_start3A_142 = tpu.memref_slice %arg6[%dma_start3A_138, %dma_start3A_140, %dma_start3A_141] : memref<4x800x32xf32, #tpu.memory_space<vmem>> -> memref<1x800x32xf32, #tpu.memory_space<vmem>>
    %dma_start3A_143 = tpu.memref_squeeze %dma_start3A_142 : memref<1x800x32xf32, #tpu.memory_space<vmem>> -> memref<800x32xf32, #tpu.memory_space<vmem>>
    %dma_start3A_144 = arith.constant 0 : i32
    %dma_start3A_145 = tpu.memref_slice %arg4[%add3A_137, %dma_start3A_144] : memref<819200x32xf32, #tpu.memory_space<hbm>> -> memref<800x32xf32, #tpu.memory_space<hbm>>
    %dma_start3A_146 = tpu.memref_slice %arg8[%dma_start3A_139] : memref<4x!tpu.dma_semaphore, #tpu.memory_space<semaphore_mem>> -> memref<1x!tpu.dma_semaphore, #tpu.memory_space<semaphore_mem>>
    %dma_start3A_147 = tpu.memref_squeeze %dma_start3A_146 : memref<1x!tpu.dma_semaphore, #tpu.memory_space<semaphore_mem>> -> memref<!tpu.dma_semaphore, #tpu.memory_space<semaphore_mem>>
    %dma_start3A_148 = arith.constant 0 : i32
    %dma_start3A_149 = tpu.memref_slice %arg4[%add3A_137, %dma_start3A_148] : memref<819200x32xf32, #tpu.memory_space<hbm>> -> memref<800x32xf32, #tpu.memory_space<hbm>>
    %dma_start3A_150 = arith.constant 0 : i32
    %dma_start3A_151 = arith.constant 0 : i32
    %dma_start3A_152 = tpu.memref_slice %arg6[%dma_start3A_138, %dma_start3A_150, %dma_start3A_151] : memref<4x800x32xf32, #tpu.memory_space<vmem>> -> memref<1x800x32xf32, #tpu.memory_space<vmem>>
    %dma_start3A_153 = tpu.memref_squeeze %dma_start3A_152 : memref<1x800x32xf32, #tpu.memory_space<vmem>> -> memref<800x32xf32, #tpu.memory_space<vmem>>
    tpu.enqueue_dma source(%dma_start3A_153 : memref<800x32xf32, #tpu.memory_space<vmem>>) target(%dma_start3A_149 : memref<800x32xf32, #tpu.memory_space<hbm>>) target_semaphore(%dma_start3A_147 : memref<!tpu.dma_semaphore, #tpu.memory_space<semaphore_mem>>)
    %add3A_154 = arith.constant 800 : i32
    %add3A_155 = arith.addi %mul3A_2, %add3A_154 : i32
    %dma_wait3A_156 = arith.constant 1 : i32
    %dma_wait3A_157 = arith.constant 1 : i32
    %dma_wait3A_158 = arith.constant 0 : i32
    %dma_wait3A_159 = arith.constant 0 : i32
    %dma_wait3A_160 = tpu.memref_slice %arg6[%dma_wait3A_156, %dma_wait3A_158, %dma_wait3A_159] : memref<4x800x32xf32, #tpu.memory_space<vmem>> -> memref<1x800x32xf32, #tpu.memory_space<vmem>>
    %dma_wait3A_161 = tpu.memref_squeeze %dma_wait3A_160 : memref<1x800x32xf32, #tpu.memory_space<vmem>> -> memref<800x32xf32, #tpu.memory_space<vmem>>
    %dma_wait3A_162 = arith.constant 0 : i32
    %dma_wait3A_163 = tpu.memref_slice %arg4[%add3A_155, %dma_wait3A_162] : memref<819200x32xf32, #tpu.memory_space<hbm>> -> memref<800x32xf32, #tpu.memory_space<hbm>>
    %dma_wait3A_164 = tpu.memref_slice %arg8[%dma_wait3A_157] : memref<4x!tpu.dma_semaphore, #tpu.memory_space<semaphore_mem>> -> memref<1x!tpu.dma_semaphore, #tpu.memory_space<semaphore_mem>>
    %dma_wait3A_165 = tpu.memref_squeeze %dma_wait3A_164 : memref<1x!tpu.dma_semaphore, #tpu.memory_space<semaphore_mem>> -> memref<!tpu.dma_semaphore, #tpu.memory_space<semaphore_mem>>
    %dma_wait3A_166 = arith.constant 0 : i32
    %dma_wait3A_167 = tpu.memref_slice %arg4[%add3A_155, %dma_wait3A_166] : memref<819200x32xf32, #tpu.memory_space<hbm>> -> memref<800x32xf32, #tpu.memory_space<hbm>>
    %dma_wait3A_168 = arith.constant 0 : i32
    %dma_wait3A_169 = arith.constant 0 : i32
    %dma_wait3A_170 = tpu.memref_slice %arg6[%dma_wait3A_156, %dma_wait3A_168, %dma_wait3A_169] : memref<4x800x32xf32, #tpu.memory_space<vmem>> -> memref<1x800x32xf32, #tpu.memory_space<vmem>>
    %dma_wait3A_171 = tpu.memref_squeeze %dma_wait3A_170 : memref<1x800x32xf32, #tpu.memory_space<vmem>> -> memref<800x32xf32, #tpu.memory_space<vmem>>
    tpu.wait_dma2 semaphore(%dma_wait3A_165 : memref<!tpu.dma_semaphore, #tpu.memory_space<semaphore_mem>>) src(%dma_wait3A_171 : memref<800x32xf32, #tpu.memory_space<vmem>>) dst(%dma_wait3A_167 : memref<800x32xf32, #tpu.memory_space<hbm>>)
    %dma_start3A_172 = arith.constant 1 : i32
    %dma_start3A_173 = arith.constant 1 : i32
    %dma_start3A_174 = arith.constant 0 : i32
    %dma_start3A_175 = arith.constant 0 : i32
    %dma_start3A_176 = tpu.memref_slice %arg6[%dma_start3A_172, %dma_start3A_174, %dma_start3A_175] : memref<4x800x32xf32, #tpu.memory_space<vmem>> -> memref<1x800x32xf32, #tpu.memory_space<vmem>>
    %dma_start3A_177 = tpu.memref_squeeze %dma_start3A_176 : memref<1x800x32xf32, #tpu.memory_space<vmem>> -> memref<800x32xf32, #tpu.memory_space<vmem>>
    %dma_start3A_178 = arith.constant 4000 : i32
    %dma_start3A_179 = tpu.memref_slice %arg5[%dma_start3A_178] : memref<25600xi32, #tpu.memory_space<vmem>> -> memref<800xi32, #tpu.memory_space<vmem>>
    %dma_start3A_180 = arith.constant 0 : i32
    %dma_start3A_181 = arith.constant 0 : i32
    %dma_start3A_182 = tpu.memref_slice %arg3[%dma_start3A_180, %dma_start3A_181] : memref<1015808x32xf32, #tpu.memory_space<hbm>> -> memref<1015808x32xf32, #tpu.memory_space<hbm>>
    %dma_start3A_183 = tpu.memref_slice %arg7[%dma_start3A_173] : memref<4x!tpu.dma_semaphore, #tpu.memory_space<semaphore_mem>> -> memref<1x!tpu.dma_semaphore, #tpu.memory_space<semaphore_mem>>
    %dma_start3A_184 = tpu.memref_squeeze %dma_start3A_183 : memref<1x!tpu.dma_semaphore, #tpu.memory_space<semaphore_mem>> -> memref<!tpu.dma_semaphore, #tpu.memory_space<semaphore_mem>>
    tpu.enqueue_indirect_dma source(%dma_start3A_182 : memref<1015808x32xf32, #tpu.memory_space<hbm>>) target(%dma_start3A_177 : memref<800x32xf32, #tpu.memory_space<vmem>>) offsets(%dma_start3A_179 : memref<800xi32, #tpu.memory_space<vmem>>) semaphore(%dma_start3A_184 : memref<!tpu.dma_semaphore, #tpu.memory_space<semaphore_mem>>)
    %dma_wait3A_185 = arith.constant 2 : i32
    %dma_wait3A_186 = arith.constant 2 : i32
    %dma_wait3A_187 = arith.constant 0 : i32
    %dma_wait3A_188 = arith.constant 0 : i32
    %dma_wait3A_189 = tpu.memref_slice %arg6[%dma_wait3A_185, %dma_wait3A_187, %dma_wait3A_188] : memref<4x800x32xf32, #tpu.memory_space<vmem>> -> memref<1x800x32xf32, #tpu.memory_space<vmem>>
    %dma_wait3A_190 = tpu.memref_squeeze %dma_wait3A_189 : memref<1x800x32xf32, #tpu.memory_space<vmem>> -> memref<800x32xf32, #tpu.memory_space<vmem>>
    %dma_wait3A_191 = arith.constant 1600 : i32
    %dma_wait3A_192 = tpu.memref_slice %arg5[%dma_wait3A_191] : memref<25600xi32, #tpu.memory_space<vmem>> -> memref<800xi32, #tpu.memory_space<vmem>>
    %dma_wait3A_193 = arith.constant 0 : i32
    %dma_wait3A_194 = arith.constant 0 : i32
    %dma_wait3A_195 = tpu.memref_slice %arg3[%dma_wait3A_193, %dma_wait3A_194] : memref<1015808x32xf32, #tpu.memory_space<hbm>> -> memref<1015808x32xf32, #tpu.memory_space<hbm>>
    %dma_wait3A_196 = tpu.memref_slice %arg7[%dma_wait3A_186] : memref<4x!tpu.dma_semaphore, #tpu.memory_space<semaphore_mem>> -> memref<1x!tpu.dma_semaphore, #tpu.memory_space<semaphore_mem>>
    %dma_wait3A_197 = tpu.memref_squeeze %dma_wait3A_196 : memref<1x!tpu.dma_semaphore, #tpu.memory_space<semaphore_mem>> -> memref<!tpu.dma_semaphore, #tpu.memory_space<semaphore_mem>>
    tpu.wait_indirect_dma semaphore(%dma_wait3A_197 : memref<!tpu.dma_semaphore, #tpu.memory_space<semaphore_mem>>) src(%dma_wait3A_195 : memref<1015808x32xf32, #tpu.memory_space<hbm>>) dst(%dma_wait3A_190 : memref<800x32xf32, #tpu.memory_space<vmem>>)
    %add3A_198 = arith.constant 1600 : i32
    %add3A_199 = arith.addi %mul3A_2, %add3A_198 : i32
    %dma_start3A_200 = arith.constant 2 : i32
    %dma_start3A_201 = arith.constant 2 : i32
    %dma_start3A_202 = arith.constant 0 : i32
    %dma_start3A_203 = arith.constant 0 : i32
    %dma_start3A_204 = tpu.memref_slice %arg6[%dma_start3A_200, %dma_start3A_202, %dma_start3A_203] : memref<4x800x32xf32, #tpu.memory_space<vmem>> -> memref<1x800x32xf32, #tpu.memory_space<vmem>>
    %dma_start3A_205 = tpu.memref_squeeze %dma_start3A_204 : memref<1x800x32xf32, #tpu.memory_space<vmem>> -> memref<800x32xf32, #tpu.memory_space<vmem>>
    %dma_start3A_206 = arith.constant 0 : i32
    %dma_start3A_207 = tpu.memref_slice %arg4[%add3A_199, %dma_start3A_206] : memref<819200x32xf32, #tpu.memory_space<hbm>> -> memref<800x32xf32, #tpu.memory_space<hbm>>
    %dma_start3A_208 = tpu.memref_slice %arg8[%dma_start3A_201] : memref<4x!tpu.dma_semaphore, #tpu.memory_space<semaphore_mem>> -> memref<1x!tpu.dma_semaphore, #tpu.memory_space<semaphore_mem>>
    %dma_start3A_209 = tpu.memref_squeeze %dma_start3A_208 : memref<1x!tpu.dma_semaphore, #tpu.memory_space<semaphore_mem>> -> memref<!tpu.dma_semaphore, #tpu.memory_space<semaphore_mem>>
    %dma_start3A_210 = arith.constant 0 : i32
    %dma_start3A_211 = tpu.memref_slice %arg4[%add3A_199, %dma_start3A_210] : memref<819200x32xf32, #tpu.memory_space<hbm>> -> memref<800x32xf32, #tpu.memory_space<hbm>>
    %dma_start3A_212 = arith.constant 0 : i32
    %dma_start3A_213 = arith.constant 0 : i32
    %dma_start3A_214 = tpu.memref_slice %arg6[%dma_start3A_200, %dma_start3A_212, %dma_start3A_213] : memref<4x800x32xf32, #tpu.memory_space<vmem>> -> memref<1x800x32xf32, #tpu.memory_space<vmem>>
    %dma_start3A_215 = tpu.memref_squeeze %dma_start3A_214 : memref<1x800x32xf32, #tpu.memory_space<vmem>> -> memref<800x32xf32, #tpu.memory_space<vmem>>
    tpu.enqueue_dma source(%dma_start3A_215 : memref<800x32xf32, #tpu.memory_space<vmem>>) target(%dma_start3A_211 : memref<800x32xf32, #tpu.memory_space<hbm>>) target_semaphore(%dma_start3A_209 : memref<!tpu.dma_semaphore, #tpu.memory_space<semaphore_mem>>)
    %add3A_216 = arith.constant 1600 : i32
    %add3A_217 = arith.addi %mul3A_2, %add3A_216 : i32
    %dma_wait3A_218 = arith.constant 2 : i32
    %dma_wait3A_219 = arith.constant 2 : i32
    %dma_wait3A_220 = arith.constant 0 : i32
    %dma_wait3A_221 = arith.constant 0 : i32
    %dma_wait3A_222 = tpu.memref_slice %arg6[%dma_wait3A_218, %dma_wait3A_220, %dma_wait3A_221] : memref<4x800x32xf32, #tpu.memory_space<vmem>> -> memref<1x800x32xf32, #tpu.memory_space<vmem>>
    %dma_wait3A_223 = tpu.memref_squeeze %dma_wait3A_222 : memref<1x800x32xf32, #tpu.memory_space<vmem>> -> memref<800x32xf32, #tpu.memory_space<vmem>>
    %dma_wait3A_224 = arith.constant 0 : i32
    %dma_wait3A_225 = tpu.memref_slice %arg4[%add3A_217, %dma_wait3A_224] : memref<819200x32xf32, #tpu.memory_space<hbm>> -> memref<800x32xf32, #tpu.memory_space<hbm>>
    %dma_wait3A_226 = tpu.memref_slice %arg8[%dma_wait3A_219] : memref<4x!tpu.dma_semaphore, #tpu.memory_space<semaphore_mem>> -> memref<1x!tpu.dma_semaphore, #tpu.memory_space<semaphore_mem>>
    %dma_wait3A_227 = tpu.memref_squeeze %dma_wait3A_226 : memref<1x!tpu.dma_semaphore, #tpu.memory_space<semaphore_mem>> -> memref<!tpu.dma_semaphore, #tpu.memory_space<semaphore_mem>>
    %dma_wait3A_228 = arith.constant 0 : i32
    %dma_wait3A_229 = tpu.memref_slice %arg4[%add3A_217, %dma_wait3A_228] : memref<819200x32xf32, #tpu.memory_space<hbm>> -> memref<800x32xf32, #tpu.memory_space<hbm>>
    %dma_wait3A_230 = arith.constant 0 : i32
    %dma_wait3A_231 = arith.constant 0 : i32
    %dma_wait3A_232 = tpu.memref_slice %arg6[%dma_wait3A_218, %dma_wait3A_230, %dma_wait3A_231] : memref<4x800x32xf32, #tpu.memory_space<vmem>> -> memref<1x800x32xf32, #tpu.memory_space<vmem>>
    %dma_wait3A_233 = tpu.memref_squeeze %dma_wait3A_232 : memref<1x800x32xf32, #tpu.memory_space<vmem>> -> memref<800x32xf32, #tpu.memory_space<vmem>>
    tpu.wait_dma2 semaphore(%dma_wait3A_227 : memref<!tpu.dma_semaphore, #tpu.memory_space<semaphore_mem>>) src(%dma_wait3A_233 : memref<800x32xf32, #tpu.memory_space<vmem>>) dst(%dma_wait3A_229 : memref<800x32xf32, #tpu.memory_space<hbm>>)
    %dma_start3A_234 = arith.constant 2 : i32
    %dma_start3A_235 = arith.constant 2 : i32
    %dma_start3A_236 = arith.constant 0 : i32
    %dma_start3A_237 = arith.constant 0 : i32
    %dma_start3A_238 = tpu.memref_slice %arg6[%dma_start3A_234, %dma_start3A_236, %dma_start3A_237] : memref<4x800x32xf32, #tpu.memory_space<vmem>> -> memref<1x800x32xf32, #tpu.memory_space<vmem>>
    %dma_start3A_239 = tpu.memref_squeeze %dma_start3A_238 : memref<1x800x32xf32, #tpu.memory_space<vmem>> -> memref<800x32xf32, #tpu.memory_space<vmem>>
    %dma_start3A_240 = arith.constant 4800 : i32
    %dma_start3A_241 = tpu.memref_slice %arg5[%dma_start3A_240] : memref<25600xi32, #tpu.memory_space<vmem>> -> memref<800xi32, #tpu.memory_space<vmem>>
    %dma_start3A_242 = arith.constant 0 : i32
    %dma_start3A_243 = arith.constant 0 : i32
    %dma_start3A_244 = tpu.memref_slice %arg3[%dma_start3A_242, %dma_start3A_243] : memref<1015808x32xf32, #tpu.memory_space<hbm>> -> memref<1015808x32xf32, #tpu.memory_space<hbm>>
    %dma_start3A_245 = tpu.memref_slice %arg7[%dma_start3A_235] : memref<4x!tpu.dma_semaphore, #tpu.memory_space<semaphore_mem>> -> memref<1x!tpu.dma_semaphore, #tpu.memory_space<semaphore_mem>>
    %dma_start3A_246 = tpu.memref_squeeze %dma_start3A_245 : memref<1x!tpu.dma_semaphore, #tpu.memory_space<semaphore_mem>> -> memref<!tpu.dma_semaphore, #tpu.memory_space<semaphore_mem>>
    tpu.enqueue_indirect_dma source(%dma_start3A_244 : memref<1015808x32xf32, #tpu.memory_space<hbm>>) target(%dma_start3A_239 : memref<800x32xf32, #tpu.memory_space<vmem>>) offsets(%dma_start3A_241 : memref<800xi32, #tpu.memory_space<vmem>>) semaphore(%dma_start3A_246 : memref<!tpu.dma_semaphore, #tpu.memory_space<semaphore_mem>>)
    %dma_wait3A_247 = arith.constant 3 : i32
    %dma_wait3A_248 = arith.constant 3 : i32
    %dma_wait3A_249 = arith.constant 0 : i32
    %dma_wait3A_250 = arith.constant 0 : i32
    %dma_wait3A_251 = tpu.memref_slice %arg6[%dma_wait3A_247, %dma_wait3A_249, %dma_wait3A_250] : memref<4x800x32xf32, #tpu.memory_space<vmem>> -> memref<1x800x32xf32, #tpu.memory_space<vmem>>
    %dma_wait3A_252 = tpu.memref_squeeze %dma_wait3A_251 : memref<1x800x32xf32, #tpu.memory_space<vmem>> -> memref<800x32xf32, #tpu.memory_space<vmem>>
    %dma_wait3A_253 = arith.constant 2400 : i32
    %dma_wait3A_254 = tpu.memref_slice %arg5[%dma_wait3A_253] : memref<25600xi32, #tpu.memory_space<vmem>> -> memref<800xi32, #tpu.memory_space<vmem>>
    %dma_wait3A_255 = arith.constant 0 : i32
    %dma_wait3A_256 = arith.constant 0 : i32
    %dma_wait3A_257 = tpu.memref_slice %arg3[%dma_wait3A_255, %dma_wait3A_256] : memref<1015808x32xf32, #tpu.memory_space<hbm>> -> memref<1015808x32xf32, #tpu.memory_space<hbm>>
    %dma_wait3A_258 = tpu.memref_slice %arg7[%dma_wait3A_248] : memref<4x!tpu.dma_semaphore, #tpu.memory_space<semaphore_mem>> -> memref<1x!tpu.dma_semaphore, #tpu.memory_space<semaphore_mem>>
    %dma_wait3A_259 = tpu.memref_squeeze %dma_wait3A_258 : memref<1x!tpu.dma_semaphore, #tpu.memory_space<semaphore_mem>> -> memref<!tpu.dma_semaphore, #tpu.memory_space<semaphore_mem>>
    tpu.wait_indirect_dma semaphore(%dma_wait3A_259 : memref<!tpu.dma_semaphore, #tpu.memory_space<semaphore_mem>>) src(%dma_wait3A_257 : memref<1015808x32xf32, #tpu.memory_space<hbm>>) dst(%dma_wait3A_252 : memref<800x32xf32, #tpu.memory_space<vmem>>)
    %add3A_260 = arith.constant 2400 : i32
    %add3A_261 = arith.addi %mul3A_2, %add3A_260 : i32
    %dma_start3A_262 = arith.constant 3 : i32
    %dma_start3A_263 = arith.constant 3 : i32
    %dma_start3A_264 = arith.constant 0 : i32
    %dma_start3A_265 = arith.constant 0 : i32
    %dma_start3A_266 = tpu.memref_slice %arg6[%dma_start3A_262, %dma_start3A_264, %dma_start3A_265] : memref<4x800x32xf32, #tpu.memory_space<vmem>> -> memref<1x800x32xf32, #tpu.memory_space<vmem>>
    %dma_start3A_267 = tpu.memref_squeeze %dma_start3A_266 : memref<1x800x32xf32, #tpu.memory_space<vmem>> -> memref<800x32xf32, #tpu.memory_space<vmem>>
    %dma_start3A_268 = arith.constant 0 : i32
    %dma_start3A_269 = tpu.memref_slice %arg4[%add3A_261, %dma_start3A_268] : memref<819200x32xf32, #tpu.memory_space<hbm>> -> memref<800x32xf32, #tpu.memory_space<hbm>>
    %dma_start3A_270 = tpu.memref_slice %arg8[%dma_start3A_263] : memref<4x!tpu.dma_semaphore, #tpu.memory_space<semaphore_mem>> -> memref<1x!tpu.dma_semaphore, #tpu.memory_space<semaphore_mem>>
    %dma_start3A_271 = tpu.memref_squeeze %dma_start3A_270 : memref<1x!tpu.dma_semaphore, #tpu.memory_space<semaphore_mem>> -> memref<!tpu.dma_semaphore, #tpu.memory_space<semaphore_mem>>
    %dma_start3A_272 = arith.constant 0 : i32
    %dma_start3A_273 = tpu.memref_slice %arg4[%add3A_261, %dma_start3A_272] : memref<819200x32xf32, #tpu.memory_space<hbm>> -> memref<800x32xf32, #tpu.memory_space<hbm>>
    %dma_start3A_274 = arith.constant 0 : i32
    %dma_start3A_275 = arith.constant 0 : i32
    %dma_start3A_276 = tpu.memref_slice %arg6[%dma_start3A_262, %dma_start3A_274, %dma_start3A_275] : memref<4x800x32xf32, #tpu.memory_space<vmem>> -> memref<1x800x32xf32, #tpu.memory_space<vmem>>
    %dma_start3A_277 = tpu.memref_squeeze %dma_start3A_276 : memref<1x800x32xf32, #tpu.memory_space<vmem>> -> memref<800x32xf32, #tpu.memory_space<vmem>>
    tpu.enqueue_dma source(%dma_start3A_277 : memref<800x32xf32, #tpu.memory_space<vmem>>) target(%dma_start3A_273 : memref<800x32xf32, #tpu.memory_space<hbm>>) target_semaphore(%dma_start3A_271 : memref<!tpu.dma_semaphore, #tpu.memory_space<semaphore_mem>>)
    %scan3A_278 = arith.constant 0 : i32
    %scan3A_279 = arith.constant 1 : i32
    %scan3A_280 = arith.constant 6 : i32
    %scan3A_281 = arith.addi %scan3A_279, %scan3A_280 : i32
    %scan3A_282 = arith.constant 1 : i32
    %scan3A_283 = scf.for %scan3A_512 = %scan3A_279 to %scan3A_281 step %scan3A_282 iter_args(%scan3A_513 = %scan3A_278) -> (i32)  : i32 {
      %mul3A_514 = arith.constant 4 : i32
      %mul3A_515 = arith.muli %scan3A_512, %mul3A_514 : i32
      %add3A_516 = arith.constant 0 : i32
      %add3A_517 = arith.addi %mul3A_515, %add3A_516 : i32
      %sub3A = arith.constant 1 : i32
      %sub3A_518 = arith.subi %add3A_517, %sub3A : i32
      %mul3A_519 = arith.constant 800 : i32
      %mul3A_520 = arith.muli %sub3A_518, %mul3A_519 : i32
      %add3A_521 = arith.addi %mul3A_2, %mul3A_520 : i32
      %dma_wait3A_522 = arith.constant 3 : i32
      %dma_wait3A_523 = arith.constant 3 : i32
      %dma_wait3A_524 = arith.constant 0 : i32
      %dma_wait3A_525 = arith.constant 0 : i32
      %dma_wait3A_526 = tpu.memref_slice %arg6[%dma_wait3A_522, %dma_wait3A_524, %dma_wait3A_525] : memref<4x800x32xf32, #tpu.memory_space<vmem>> -> memref<1x800x32xf32, #tpu.memory_space<vmem>>
      %dma_wait3A_527 = tpu.memref_squeeze %dma_wait3A_526 : memref<1x800x32xf32, #tpu.memory_space<vmem>> -> memref<800x32xf32, #tpu.memory_space<vmem>>
      %dma_wait3A_528 = arith.constant 0 : i32
      %dma_wait3A_529 = tpu.memref_slice %arg4[%add3A_521, %dma_wait3A_528] : memref<819200x32xf32, #tpu.memory_space<hbm>> -> memref<800x32xf32, #tpu.memory_space<hbm>>
      %dma_wait3A_530 = tpu.memref_slice %arg8[%dma_wait3A_523] : memref<4x!tpu.dma_semaphore, #tpu.memory_space<semaphore_mem>> -> memref<1x!tpu.dma_semaphore, #tpu.memory_space<semaphore_mem>>
      %dma_wait3A_531 = tpu.memref_squeeze %dma_wait3A_530 : memref<1x!tpu.dma_semaphore, #tpu.memory_space<semaphore_mem>> -> memref<!tpu.dma_semaphore, #tpu.memory_space<semaphore_mem>>
      %dma_wait3A_532 = arith.constant 0 : i32
      %dma_wait3A_533 = tpu.memref_slice %arg4[%add3A_521, %dma_wait3A_532] : memref<819200x32xf32, #tpu.memory_space<hbm>> -> memref<800x32xf32, #tpu.memory_space<hbm>>
      %dma_wait3A_534 = arith.constant 0 : i32
      %dma_wait3A_535 = arith.constant 0 : i32
      %dma_wait3A_536 = tpu.memref_slice %arg6[%dma_wait3A_522, %dma_wait3A_534, %dma_wait3A_535] : memref<4x800x32xf32, #tpu.memory_space<vmem>> -> memref<1x800x32xf32, #tpu.memory_space<vmem>>
      %dma_wait3A_537 = tpu.memref_squeeze %dma_wait3A_536 : memref<1x800x32xf32, #tpu.memory_space<vmem>> -> memref<800x32xf32, #tpu.memory_space<vmem>>
      tpu.wait_dma2 semaphore(%dma_wait3A_531 : memref<!tpu.dma_semaphore, #tpu.memory_space<semaphore_mem>>) src(%dma_wait3A_537 : memref<800x32xf32, #tpu.memory_space<vmem>>) dst(%dma_wait3A_533 : memref<800x32xf32, #tpu.memory_space<hbm>>)
      %add3A_538 = arith.constant 4 : i32
      %add3A_539 = arith.addi %add3A_517, %add3A_538 : i32
      %sub3A_540 = arith.constant 1 : i32
      %sub3A_541 = arith.subi %add3A_539, %sub3A_540 : i32
      %mul3A_542 = arith.constant 800 : i32
      %mul3A_543 = arith.muli %sub3A_541, %mul3A_542 : i32
      %dma_start3A_544 = arith.constant 3 : i32
      %dma_start3A_545 = arith.constant 3 : i32
      %dma_start3A_546 = arith.constant 0 : i32
      %dma_start3A_547 = arith.constant 0 : i32
      %dma_start3A_548 = tpu.memref_slice %arg6[%dma_start3A_544, %dma_start3A_546, %dma_start3A_547] : memref<4x800x32xf32, #tpu.memory_space<vmem>> -> memref<1x800x32xf32, #tpu.memory_space<vmem>>
      %dma_start3A_549 = tpu.memref_squeeze %dma_start3A_548 : memref<1x800x32xf32, #tpu.memory_space<vmem>> -> memref<800x32xf32, #tpu.memory_space<vmem>>
      %dma_start3A_550 = tpu.memref_slice %arg5[%mul3A_543] : memref<25600xi32, #tpu.memory_space<vmem>> -> memref<800xi32, #tpu.memory_space<vmem>>
      %dma_start3A_551 = arith.constant 0 : i32
      %dma_start3A_552 = arith.constant 0 : i32
      %dma_start3A_553 = tpu.memref_slice %arg3[%dma_start3A_551, %dma_start3A_552] : memref<1015808x32xf32, #tpu.memory_space<hbm>> -> memref<1015808x32xf32, #tpu.memory_space<hbm>>
      %dma_start3A_554 = tpu.memref_slice %arg7[%dma_start3A_545] : memref<4x!tpu.dma_semaphore, #tpu.memory_space<semaphore_mem>> -> memref<1x!tpu.dma_semaphore, #tpu.memory_space<semaphore_mem>>
      %dma_start3A_555 = tpu.memref_squeeze %dma_start3A_554 : memref<1x!tpu.dma_semaphore, #tpu.memory_space<semaphore_mem>> -> memref<!tpu.dma_semaphore, #tpu.memory_space<semaphore_mem>>
      tpu.enqueue_indirect_dma source(%dma_start3A_553 : memref<1015808x32xf32, #tpu.memory_space<hbm>>) target(%dma_start3A_549 : memref<800x32xf32, #tpu.memory_space<vmem>>) offsets(%dma_start3A_550 : memref<800xi32, #tpu.memory_space<vmem>>) semaphore(%dma_start3A_555 : memref<!tpu.dma_semaphore, #tpu.memory_space<semaphore_mem>>)
      %mul3A_556 = arith.constant 800 : i32
      %mul3A_557 = arith.muli %add3A_517, %mul3A_556 : i32
      %dma_wait3A_558 = arith.constant 0 : i32
      %dma_wait3A_559 = arith.constant 0 : i32
      %dma_wait3A_560 = arith.constant 0 : i32
      %dma_wait3A_561 = arith.constant 0 : i32
      %dma_wait3A_562 = tpu.memref_slice %arg6[%dma_wait3A_558, %dma_wait3A_560, %dma_wait3A_561] : memref<4x800x32xf32, #tpu.memory_space<vmem>> -> memref<1x800x32xf32, #tpu.memory_space<vmem>>
      %dma_wait3A_563 = tpu.memref_squeeze %dma_wait3A_562 : memref<1x800x32xf32, #tpu.memory_space<vmem>> -> memref<800x32xf32, #tpu.memory_space<vmem>>
      %dma_wait3A_564 = tpu.memref_slice %arg5[%mul3A_557] : memref<25600xi32, #tpu.memory_space<vmem>> -> memref<800xi32, #tpu.memory_space<vmem>>
      %dma_wait3A_565 = arith.constant 0 : i32
      %dma_wait3A_566 = arith.constant 0 : i32
      %dma_wait3A_567 = tpu.memref_slice %arg3[%dma_wait3A_565, %dma_wait3A_566] : memref<1015808x32xf32, #tpu.memory_space<hbm>> -> memref<1015808x32xf32, #tpu.memory_space<hbm>>
      %dma_wait3A_568 = tpu.memref_slice %arg7[%dma_wait3A_559] : memref<4x!tpu.dma_semaphore, #tpu.memory_space<semaphore_mem>> -> memref<1x!tpu.dma_semaphore, #tpu.memory_space<semaphore_mem>>
      %dma_wait3A_569 = tpu.memref_squeeze %dma_wait3A_568 : memref<1x!tpu.dma_semaphore, #tpu.memory_space<semaphore_mem>> -> memref<!tpu.dma_semaphore, #tpu.memory_space<semaphore_mem>>
      tpu.wait_indirect_dma semaphore(%dma_wait3A_569 : memref<!tpu.dma_semaphore, #tpu.memory_space<semaphore_mem>>) src(%dma_wait3A_567 : memref<1015808x32xf32, #tpu.memory_space<hbm>>) dst(%dma_wait3A_563 : memref<800x32xf32, #tpu.memory_space<vmem>>)
      %mul3A_570 = arith.constant 800 : i32
      %mul3A_571 = arith.muli %add3A_517, %mul3A_570 : i32
      %add3A_572 = arith.addi %mul3A_2, %mul3A_571 : i32
      %dma_start3A_573 = arith.constant 0 : i32
      %dma_start3A_574 = arith.constant 0 : i32
      %dma_start3A_575 = arith.constant 0 : i32
      %dma_start3A_576 = arith.constant 0 : i32
      %dma_start3A_577 = tpu.memref_slice %arg6[%dma_start3A_573, %dma_start3A_575, %dma_start3A_576] : memref<4x800x32xf32, #tpu.memory_space<vmem>> -> memref<1x800x32xf32, #tpu.memory_space<vmem>>
      %dma_start3A_578 = tpu.memref_squeeze %dma_start3A_577 : memref<1x800x32xf32, #tpu.memory_space<vmem>> -> memref<800x32xf32, #tpu.memory_space<vmem>>
      %dma_start3A_579 = arith.constant 0 : i32
      %dma_start3A_580 = tpu.memref_slice %arg4[%add3A_572, %dma_start3A_579] : memref<819200x32xf32, #tpu.memory_space<hbm>> -> memref<800x32xf32, #tpu.memory_space<hbm>>
      %dma_start3A_581 = tpu.memref_slice %arg8[%dma_start3A_574] : memref<4x!tpu.dma_semaphore, #tpu.memory_space<semaphore_mem>> -> memref<1x!tpu.dma_semaphore, #tpu.memory_space<semaphore_mem>>
      %dma_start3A_582 = tpu.memref_squeeze %dma_start3A_581 : memref<1x!tpu.dma_semaphore, #tpu.memory_space<semaphore_mem>> -> memref<!tpu.dma_semaphore, #tpu.memory_space<semaphore_mem>>
      %dma_start3A_583 = arith.constant 0 : i32
      %dma_start3A_584 = tpu.memref_slice %arg4[%add3A_572, %dma_start3A_583] : memref<819200x32xf32, #tpu.memory_space<hbm>> -> memref<800x32xf32, #tpu.memory_space<hbm>>
      %dma_start3A_585 = arith.constant 0 : i32
      %dma_start3A_586 = arith.constant 0 : i32
      %dma_start3A_587 = tpu.memref_slice %arg6[%dma_start3A_573, %dma_start3A_585, %dma_start3A_586] : memref<4x800x32xf32, #tpu.memory_space<vmem>> -> memref<1x800x32xf32, #tpu.memory_space<vmem>>
      %dma_start3A_588 = tpu.memref_squeeze %dma_start3A_587 : memref<1x800x32xf32, #tpu.memory_space<vmem>> -> memref<800x32xf32, #tpu.memory_space<vmem>>
      tpu.enqueue_dma source(%dma_start3A_588 : memref<800x32xf32, #tpu.memory_space<vmem>>) target(%dma_start3A_584 : memref<800x32xf32, #tpu.memory_space<hbm>>) target_semaphore(%dma_start3A_582 : memref<!tpu.dma_semaphore, #tpu.memory_space<semaphore_mem>>)
      %add3A_589 = arith.constant 1 : i32
      %add3A_590 = arith.addi %mul3A_515, %add3A_589 : i32
      %sub3A_591 = arith.constant 1 : i32
      %sub3A_592 = arith.subi %add3A_590, %sub3A_591 : i32
      %mul3A_593 = arith.constant 800 : i32
      %mul3A_594 = arith.muli %sub3A_592, %mul3A_593 : i32
      %add3A_595 = arith.addi %mul3A_2, %mul3A_594 : i32
      %dma_wait3A_596 = arith.constant 0 : i32
      %dma_wait3A_597 = arith.constant 0 : i32
      %dma_wait3A_598 = arith.constant 0 : i32
      %dma_wait3A_599 = arith.constant 0 : i32
      %dma_wait3A_600 = tpu.memref_slice %arg6[%dma_wait3A_596, %dma_wait3A_598, %dma_wait3A_599] : memref<4x800x32xf32, #tpu.memory_space<vmem>> -> memref<1x800x32xf32, #tpu.memory_space<vmem>>
      %dma_wait3A_601 = tpu.memref_squeeze %dma_wait3A_600 : memref<1x800x32xf32, #tpu.memory_space<vmem>> -> memref<800x32xf32, #tpu.memory_space<vmem>>
      %dma_wait3A_602 = arith.constant 0 : i32
      %dma_wait3A_603 = tpu.memref_slice %arg4[%add3A_595, %dma_wait3A_602] : memref<819200x32xf32, #tpu.memory_space<hbm>> -> memref<800x32xf32, #tpu.memory_space<hbm>>
      %dma_wait3A_604 = tpu.memref_slice %arg8[%dma_wait3A_597] : memref<4x!tpu.dma_semaphore, #tpu.memory_space<semaphore_mem>> -> memref<1x!tpu.dma_semaphore, #tpu.memory_space<semaphore_mem>>
      %dma_wait3A_605 = tpu.memref_squeeze %dma_wait3A_604 : memref<1x!tpu.dma_semaphore, #tpu.memory_space<semaphore_mem>> -> memref<!tpu.dma_semaphore, #tpu.memory_space<semaphore_mem>>
      %dma_wait3A_606 = arith.constant 0 : i32
      %dma_wait3A_607 = tpu.memref_slice %arg4[%add3A_595, %dma_wait3A_606] : memref<819200x32xf32, #tpu.memory_space<hbm>> -> memref<800x32xf32, #tpu.memory_space<hbm>>
      %dma_wait3A_608 = arith.constant 0 : i32
      %dma_wait3A_609 = arith.constant 0 : i32
      %dma_wait3A_610 = tpu.memref_slice %arg6[%dma_wait3A_596, %dma_wait3A_608, %dma_wait3A_609] : memref<4x800x32xf32, #tpu.memory_space<vmem>> -> memref<1x800x32xf32, #tpu.memory_space<vmem>>
      %dma_wait3A_611 = tpu.memref_squeeze %dma_wait3A_610 : memref<1x800x32xf32, #tpu.memory_space<vmem>> -> memref<800x32xf32, #tpu.memory_space<vmem>>
      tpu.wait_dma2 semaphore(%dma_wait3A_605 : memref<!tpu.dma_semaphore, #tpu.memory_space<semaphore_mem>>) src(%dma_wait3A_611 : memref<800x32xf32, #tpu.memory_space<vmem>>) dst(%dma_wait3A_607 : memref<800x32xf32, #tpu.memory_space<hbm>>)
      %add3A_612 = arith.constant 4 : i32
      %add3A_613 = arith.addi %add3A_590, %add3A_612 : i32
      %sub3A_614 = arith.constant 1 : i32
      %sub3A_615 = arith.subi %add3A_613, %sub3A_614 : i32
      %mul3A_616 = arith.constant 800 : i32
      %mul3A_617 = arith.muli %sub3A_615, %mul3A_616 : i32
      %dma_start3A_618 = arith.constant 0 : i32
      %dma_start3A_619 = arith.constant 0 : i32
      %dma_start3A_620 = arith.constant 0 : i32
      %dma_start3A_621 = arith.constant 0 : i32
      %dma_start3A_622 = tpu.memref_slice %arg6[%dma_start3A_618, %dma_start3A_620, %dma_start3A_621] : memref<4x800x32xf32, #tpu.memory_space<vmem>> -> memref<1x800x32xf32, #tpu.memory_space<vmem>>
      %dma_start3A_623 = tpu.memref_squeeze %dma_start3A_622 : memref<1x800x32xf32, #tpu.memory_space<vmem>> -> memref<800x32xf32, #tpu.memory_space<vmem>>
      %dma_start3A_624 = tpu.memref_slice %arg5[%mul3A_617] : memref<25600xi32, #tpu.memory_space<vmem>> -> memref<800xi32, #tpu.memory_space<vmem>>
      %dma_start3A_625 = arith.constant 0 : i32
      %dma_start3A_626 = arith.constant 0 : i32
      %dma_start3A_627 = tpu.memref_slice %arg3[%dma_start3A_625, %dma_start3A_626] : memref<1015808x32xf32, #tpu.memory_space<hbm>> -> memref<1015808x32xf32, #tpu.memory_space<hbm>>
      %dma_start3A_628 = tpu.memref_slice %arg7[%dma_start3A_619] : memref<4x!tpu.dma_semaphore, #tpu.memory_space<semaphore_mem>> -> memref<1x!tpu.dma_semaphore, #tpu.memory_space<semaphore_mem>>
      %dma_start3A_629 = tpu.memref_squeeze %dma_start3A_628 : memref<1x!tpu.dma_semaphore, #tpu.memory_space<semaphore_mem>> -> memref<!tpu.dma_semaphore, #tpu.memory_space<semaphore_mem>>
      tpu.enqueue_indirect_dma source(%dma_start3A_627 : memref<1015808x32xf32, #tpu.memory_space<hbm>>) target(%dma_start3A_623 : memref<800x32xf32, #tpu.memory_space<vmem>>) offsets(%dma_start3A_624 : memref<800xi32, #tpu.memory_space<vmem>>) semaphore(%dma_start3A_629 : memref<!tpu.dma_semaphore, #tpu.memory_space<semaphore_mem>>)
      %mul3A_630 = arith.constant 800 : i32
      %mul3A_631 = arith.muli %add3A_590, %mul3A_630 : i32
      %dma_wait3A_632 = arith.constant 1 : i32
      %dma_wait3A_633 = arith.constant 1 : i32
      %dma_wait3A_634 = arith.constant 0 : i32
      %dma_wait3A_635 = arith.constant 0 : i32
      %dma_wait3A_636 = tpu.memref_slice %arg6[%dma_wait3A_632, %dma_wait3A_634, %dma_wait3A_635] : memref<4x800x32xf32, #tpu.memory_space<vmem>> -> memref<1x800x32xf32, #tpu.memory_space<vmem>>
      %dma_wait3A_637 = tpu.memref_squeeze %dma_wait3A_636 : memref<1x800x32xf32, #tpu.memory_space<vmem>> -> memref<800x32xf32, #tpu.memory_space<vmem>>
      %dma_wait3A_638 = tpu.memref_slice %arg5[%mul3A_631] : memref<25600xi32, #tpu.memory_space<vmem>> -> memref<800xi32, #tpu.memory_space<vmem>>
      %dma_wait3A_639 = arith.constant 0 : i32
      %dma_wait3A_640 = arith.constant 0 : i32
      %dma_wait3A_641 = tpu.memref_slice %arg3[%dma_wait3A_639, %dma_wait3A_640] : memref<1015808x32xf32, #tpu.memory_space<hbm>> -> memref<1015808x32xf32, #tpu.memory_space<hbm>>
      %dma_wait3A_642 = tpu.memref_slice %arg7[%dma_wait3A_633] : memref<4x!tpu.dma_semaphore, #tpu.memory_space<semaphore_mem>> -> memref<1x!tpu.dma_semaphore, #tpu.memory_space<semaphore_mem>>
      %dma_wait3A_643 = tpu.memref_squeeze %dma_wait3A_642 : memref<1x!tpu.dma_semaphore, #tpu.memory_space<semaphore_mem>> -> memref<!tpu.dma_semaphore, #tpu.memory_space<semaphore_mem>>
      tpu.wait_indirect_dma semaphore(%dma_wait3A_643 : memref<!tpu.dma_semaphore, #tpu.memory_space<semaphore_mem>>) src(%dma_wait3A_641 : memref<1015808x32xf32, #tpu.memory_space<hbm>>) dst(%dma_wait3A_637 : memref<800x32xf32, #tpu.memory_space<vmem>>)
      %mul3A_644 = arith.constant 800 : i32
      %mul3A_645 = arith.muli %add3A_590, %mul3A_644 : i32
      %add3A_646 = arith.addi %mul3A_2, %mul3A_645 : i32
      %dma_start3A_647 = arith.constant 1 : i32
      %dma_start3A_648 = arith.constant 1 : i32
      %dma_start3A_649 = arith.constant 0 : i32
      %dma_start3A_650 = arith.constant 0 : i32
      %dma_start3A_651 = tpu.memref_slice %arg6[%dma_start3A_647, %dma_start3A_649, %dma_start3A_650] : memref<4x800x32xf32, #tpu.memory_space<vmem>> -> memref<1x800x32xf32, #tpu.memory_space<vmem>>
      %dma_start3A_652 = tpu.memref_squeeze %dma_start3A_651 : memref<1x800x32xf32, #tpu.memory_space<vmem>> -> memref<800x32xf32, #tpu.memory_space<vmem>>
      %dma_start3A_653 = arith.constant 0 : i32
      %dma_start3A_654 = tpu.memref_slice %arg4[%add3A_646, %dma_start3A_653] : memref<819200x32xf32, #tpu.memory_space<hbm>> -> memref<800x32xf32, #tpu.memory_space<hbm>>
      %dma_start3A_655 = tpu.memref_slice %arg8[%dma_start3A_648] : memref<4x!tpu.dma_semaphore, #tpu.memory_space<semaphore_mem>> -> memref<1x!tpu.dma_semaphore, #tpu.memory_space<semaphore_mem>>
      %dma_start3A_656 = tpu.memref_squeeze %dma_start3A_655 : memref<1x!tpu.dma_semaphore, #tpu.memory_space<semaphore_mem>> -> memref<!tpu.dma_semaphore, #tpu.memory_space<semaphore_mem>>
      %dma_start3A_657 = arith.constant 0 : i32
      %dma_start3A_658 = tpu.memref_slice %arg4[%add3A_646, %dma_start3A_657] : memref<819200x32xf32, #tpu.memory_space<hbm>> -> memref<800x32xf32, #tpu.memory_space<hbm>>
      %dma_start3A_659 = arith.constant 0 : i32
      %dma_start3A_660 = arith.constant 0 : i32
      %dma_start3A_661 = tpu.memref_slice %arg6[%dma_start3A_647, %dma_start3A_659, %dma_start3A_660] : memref<4x800x32xf32, #tpu.memory_space<vmem>> -> memref<1x800x32xf32, #tpu.memory_space<vmem>>
      %dma_start3A_662 = tpu.memref_squeeze %dma_start3A_661 : memref<1x800x32xf32, #tpu.memory_space<vmem>> -> memref<800x32xf32, #tpu.memory_space<vmem>>
      tpu.enqueue_dma source(%dma_start3A_662 : memref<800x32xf32, #tpu.memory_space<vmem>>) target(%dma_start3A_658 : memref<800x32xf32, #tpu.memory_space<hbm>>) target_semaphore(%dma_start3A_656 : memref<!tpu.dma_semaphore, #tpu.memory_space<semaphore_mem>>)
      %add3A_663 = arith.constant 2 : i32
      %add3A_664 = arith.addi %mul3A_515, %add3A_663 : i32
      %sub3A_665 = arith.constant 1 : i32
      %sub3A_666 = arith.subi %add3A_664, %sub3A_665 : i32
      %mul3A_667 = arith.constant 800 : i32
      %mul3A_668 = arith.muli %sub3A_666, %mul3A_667 : i32
      %add3A_669 = arith.addi %mul3A_2, %mul3A_668 : i32
      %dma_wait3A_670 = arith.constant 1 : i32
      %dma_wait3A_671 = arith.constant 1 : i32
      %dma_wait3A_672 = arith.constant 0 : i32
      %dma_wait3A_673 = arith.constant 0 : i32
      %dma_wait3A_674 = tpu.memref_slice %arg6[%dma_wait3A_670, %dma_wait3A_672, %dma_wait3A_673] : memref<4x800x32xf32, #tpu.memory_space<vmem>> -> memref<1x800x32xf32, #tpu.memory_space<vmem>>
      %dma_wait3A_675 = tpu.memref_squeeze %dma_wait3A_674 : memref<1x800x32xf32, #tpu.memory_space<vmem>> -> memref<800x32xf32, #tpu.memory_space<vmem>>
      %dma_wait3A_676 = arith.constant 0 : i32
      %dma_wait3A_677 = tpu.memref_slice %arg4[%add3A_669, %dma_wait3A_676] : memref<819200x32xf32, #tpu.memory_space<hbm>> -> memref<800x32xf32, #tpu.memory_space<hbm>>
      %dma_wait3A_678 = tpu.memref_slice %arg8[%dma_wait3A_671] : memref<4x!tpu.dma_semaphore, #tpu.memory_space<semaphore_mem>> -> memref<1x!tpu.dma_semaphore, #tpu.memory_space<semaphore_mem>>
      %dma_wait3A_679 = tpu.memref_squeeze %dma_wait3A_678 : memref<1x!tpu.dma_semaphore, #tpu.memory_space<semaphore_mem>> -> memref<!tpu.dma_semaphore, #tpu.memory_space<semaphore_mem>>
      %dma_wait3A_680 = arith.constant 0 : i32
      %dma_wait3A_681 = tpu.memref_slice %arg4[%add3A_669, %dma_wait3A_680] : memref<819200x32xf32, #tpu.memory_space<hbm>> -> memref<800x32xf32, #tpu.memory_space<hbm>>
      %dma_wait3A_682 = arith.constant 0 : i32
      %dma_wait3A_683 = arith.constant 0 : i32
      %dma_wait3A_684 = tpu.memref_slice %arg6[%dma_wait3A_670, %dma_wait3A_682, %dma_wait3A_683] : memref<4x800x32xf32, #tpu.memory_space<vmem>> -> memref<1x800x32xf32, #tpu.memory_space<vmem>>
      %dma_wait3A_685 = tpu.memref_squeeze %dma_wait3A_684 : memref<1x800x32xf32, #tpu.memory_space<vmem>> -> memref<800x32xf32, #tpu.memory_space<vmem>>
      tpu.wait_dma2 semaphore(%dma_wait3A_679 : memref<!tpu.dma_semaphore, #tpu.memory_space<semaphore_mem>>) src(%dma_wait3A_685 : memref<800x32xf32, #tpu.memory_space<vmem>>) dst(%dma_wait3A_681 : memref<800x32xf32, #tpu.memory_space<hbm>>)
      %add3A_686 = arith.constant 4 : i32
      %add3A_687 = arith.addi %add3A_664, %add3A_686 : i32
      %sub3A_688 = arith.constant 1 : i32
      %sub3A_689 = arith.subi %add3A_687, %sub3A_688 : i32
      %mul3A_690 = arith.constant 800 : i32
      %mul3A_691 = arith.muli %sub3A_689, %mul3A_690 : i32
      %dma_start3A_692 = arith.constant 1 : i32
      %dma_start3A_693 = arith.constant 1 : i32
      %dma_start3A_694 = arith.constant 0 : i32
      %dma_start3A_695 = arith.constant 0 : i32
      %dma_start3A_696 = tpu.memref_slice %arg6[%dma_start3A_692, %dma_start3A_694, %dma_start3A_695] : memref<4x800x32xf32, #tpu.memory_space<vmem>> -> memref<1x800x32xf32, #tpu.memory_space<vmem>>
      %dma_start3A_697 = tpu.memref_squeeze %dma_start3A_696 : memref<1x800x32xf32, #tpu.memory_space<vmem>> -> memref<800x32xf32, #tpu.memory_space<vmem>>
      %dma_start3A_698 = tpu.memref_slice %arg5[%mul3A_691] : memref<25600xi32, #tpu.memory_space<vmem>> -> memref<800xi32, #tpu.memory_space<vmem>>
      %dma_start3A_699 = arith.constant 0 : i32
      %dma_start3A_700 = arith.constant 0 : i32
      %dma_start3A_701 = tpu.memref_slice %arg3[%dma_start3A_699, %dma_start3A_700] : memref<1015808x32xf32, #tpu.memory_space<hbm>> -> memref<1015808x32xf32, #tpu.memory_space<hbm>>
      %dma_start3A_702 = tpu.memref_slice %arg7[%dma_start3A_693] : memref<4x!tpu.dma_semaphore, #tpu.memory_space<semaphore_mem>> -> memref<1x!tpu.dma_semaphore, #tpu.memory_space<semaphore_mem>>
      %dma_start3A_703 = tpu.memref_squeeze %dma_start3A_702 : memref<1x!tpu.dma_semaphore, #tpu.memory_space<semaphore_mem>> -> memref<!tpu.dma_semaphore, #tpu.memory_space<semaphore_mem>>
      tpu.enqueue_indirect_dma source(%dma_start3A_701 : memref<1015808x32xf32, #tpu.memory_space<hbm>>) target(%dma_start3A_697 : memref<800x32xf32, #tpu.memory_space<vmem>>) offsets(%dma_start3A_698 : memref<800xi32, #tpu.memory_space<vmem>>) semaphore(%dma_start3A_703 : memref<!tpu.dma_semaphore, #tpu.memory_space<semaphore_mem>>)
      %mul3A_704 = arith.constant 800 : i32
      %mul3A_705 = arith.muli %add3A_664, %mul3A_704 : i32
      %dma_wait3A_706 = arith.constant 2 : i32
      %dma_wait3A_707 = arith.constant 2 : i32
      %dma_wait3A_708 = arith.constant 0 : i32
      %dma_wait3A_709 = arith.constant 0 : i32
      %dma_wait3A_710 = tpu.memref_slice %arg6[%dma_wait3A_706, %dma_wait3A_708, %dma_wait3A_709] : memref<4x800x32xf32, #tpu.memory_space<vmem>> -> memref<1x800x32xf32, #tpu.memory_space<vmem>>
      %dma_wait3A_711 = tpu.memref_squeeze %dma_wait3A_710 : memref<1x800x32xf32, #tpu.memory_space<vmem>> -> memref<800x32xf32, #tpu.memory_space<vmem>>
      %dma_wait3A_712 = tpu.memref_slice %arg5[%mul3A_705] : memref<25600xi32, #tpu.memory_space<vmem>> -> memref<800xi32, #tpu.memory_space<vmem>>
      %dma_wait3A_713 = arith.constant 0 : i32
      %dma_wait3A_714 = arith.constant 0 : i32
      %dma_wait3A_715 = tpu.memref_slice %arg3[%dma_wait3A_713, %dma_wait3A_714] : memref<1015808x32xf32, #tpu.memory_space<hbm>> -> memref<1015808x32xf32, #tpu.memory_space<hbm>>
      %dma_wait3A_716 = tpu.memref_slice %arg7[%dma_wait3A_707] : memref<4x!tpu.dma_semaphore, #tpu.memory_space<semaphore_mem>> -> memref<1x!tpu.dma_semaphore, #tpu.memory_space<semaphore_mem>>
      %dma_wait3A_717 = tpu.memref_squeeze %dma_wait3A_716 : memref<1x!tpu.dma_semaphore, #tpu.memory_space<semaphore_mem>> -> memref<!tpu.dma_semaphore, #tpu.memory_space<semaphore_mem>>
      tpu.wait_indirect_dma semaphore(%dma_wait3A_717 : memref<!tpu.dma_semaphore, #tpu.memory_space<semaphore_mem>>) src(%dma_wait3A_715 : memref<1015808x32xf32, #tpu.memory_space<hbm>>) dst(%dma_wait3A_711 : memref<800x32xf32, #tpu.memory_space<vmem>>)
      %mul3A_718 = arith.constant 800 : i32
      %mul3A_719 = arith.muli %add3A_664, %mul3A_718 : i32
      %add3A_720 = arith.addi %mul3A_2, %mul3A_719 : i32
      %dma_start3A_721 = arith.constant 2 : i32
      %dma_start3A_722 = arith.constant 2 : i32
      %dma_start3A_723 = arith.constant 0 : i32
      %dma_start3A_724 = arith.constant 0 : i32
      %dma_start3A_725 = tpu.memref_slice %arg6[%dma_start3A_721, %dma_start3A_723, %dma_start3A_724] : memref<4x800x32xf32, #tpu.memory_space<vmem>> -> memref<1x800x32xf32, #tpu.memory_space<vmem>>
      %dma_start3A_726 = tpu.memref_squeeze %dma_start3A_725 : memref<1x800x32xf32, #tpu.memory_space<vmem>> -> memref<800x32xf32, #tpu.memory_space<vmem>>
      %dma_start3A_727 = arith.constant 0 : i32
      %dma_start3A_728 = tpu.memref_slice %arg4[%add3A_720, %dma_start3A_727] : memref<819200x32xf32, #tpu.memory_space<hbm>> -> memref<800x32xf32, #tpu.memory_space<hbm>>
      %dma_start3A_729 = tpu.memref_slice %arg8[%dma_start3A_722] : memref<4x!tpu.dma_semaphore, #tpu.memory_space<semaphore_mem>> -> memref<1x!tpu.dma_semaphore, #tpu.memory_space<semaphore_mem>>
      %dma_start3A_730 = tpu.memref_squeeze %dma_start3A_729 : memref<1x!tpu.dma_semaphore, #tpu.memory_space<semaphore_mem>> -> memref<!tpu.dma_semaphore, #tpu.memory_space<semaphore_mem>>
      %dma_start3A_731 = arith.constant 0 : i32
      %dma_start3A_732 = tpu.memref_slice %arg4[%add3A_720, %dma_start3A_731] : memref<819200x32xf32, #tpu.memory_space<hbm>> -> memref<800x32xf32, #tpu.memory_space<hbm>>
      %dma_start3A_733 = arith.constant 0 : i32
      %dma_start3A_734 = arith.constant 0 : i32
      %dma_start3A_735 = tpu.memref_slice %arg6[%dma_start3A_721, %dma_start3A_733, %dma_start3A_734] : memref<4x800x32xf32, #tpu.memory_space<vmem>> -> memref<1x800x32xf32, #tpu.memory_space<vmem>>
      %dma_start3A_736 = tpu.memref_squeeze %dma_start3A_735 : memref<1x800x32xf32, #tpu.memory_space<vmem>> -> memref<800x32xf32, #tpu.memory_space<vmem>>
      tpu.enqueue_dma source(%dma_start3A_736 : memref<800x32xf32, #tpu.memory_space<vmem>>) target(%dma_start3A_732 : memref<800x32xf32, #tpu.memory_space<hbm>>) target_semaphore(%dma_start3A_730 : memref<!tpu.dma_semaphore, #tpu.memory_space<semaphore_mem>>)
      %add3A_737 = arith.constant 3 : i32
      %add3A_738 = arith.addi %mul3A_515, %add3A_737 : i32
      %sub3A_739 = arith.constant 1 : i32
      %sub3A_740 = arith.subi %add3A_738, %sub3A_739 : i32
      %mul3A_741 = arith.constant 800 : i32
      %mul3A_742 = arith.muli %sub3A_740, %mul3A_741 : i32
      %add3A_743 = arith.addi %mul3A_2, %mul3A_742 : i32
      %dma_wait3A_744 = arith.constant 2 : i32
      %dma_wait3A_745 = arith.constant 2 : i32
      %dma_wait3A_746 = arith.constant 0 : i32
      %dma_wait3A_747 = arith.constant 0 : i32
      %dma_wait3A_748 = tpu.memref_slice %arg6[%dma_wait3A_744, %dma_wait3A_746, %dma_wait3A_747] : memref<4x800x32xf32, #tpu.memory_space<vmem>> -> memref<1x800x32xf32, #tpu.memory_space<vmem>>
      %dma_wait3A_749 = tpu.memref_squeeze %dma_wait3A_748 : memref<1x800x32xf32, #tpu.memory_space<vmem>> -> memref<800x32xf32, #tpu.memory_space<vmem>>
      %dma_wait3A_750 = arith.constant 0 : i32
      %dma_wait3A_751 = tpu.memref_slice %arg4[%add3A_743, %dma_wait3A_750] : memref<819200x32xf32, #tpu.memory_space<hbm>> -> memref<800x32xf32, #tpu.memory_space<hbm>>
      %dma_wait3A_752 = tpu.memref_slice %arg8[%dma_wait3A_745] : memref<4x!tpu.dma_semaphore, #tpu.memory_space<semaphore_mem>> -> memref<1x!tpu.dma_semaphore, #tpu.memory_space<semaphore_mem>>
      %dma_wait3A_753 = tpu.memref_squeeze %dma_wait3A_752 : memref<1x!tpu.dma_semaphore, #tpu.memory_space<semaphore_mem>> -> memref<!tpu.dma_semaphore, #tpu.memory_space<semaphore_mem>>
      %dma_wait3A_754 = arith.constant 0 : i32
      %dma_wait3A_755 = tpu.memref_slice %arg4[%add3A_743, %dma_wait3A_754] : memref<819200x32xf32, #tpu.memory_space<hbm>> -> memref<800x32xf32, #tpu.memory_space<hbm>>
      %dma_wait3A_756 = arith.constant 0 : i32
      %dma_wait3A_757 = arith.constant 0 : i32
      %dma_wait3A_758 = tpu.memref_slice %arg6[%dma_wait3A_744, %dma_wait3A_756, %dma_wait3A_757] : memref<4x800x32xf32, #tpu.memory_space<vmem>> -> memref<1x800x32xf32, #tpu.memory_space<vmem>>
      %dma_wait3A_759 = tpu.memref_squeeze %dma_wait3A_758 : memref<1x800x32xf32, #tpu.memory_space<vmem>> -> memref<800x32xf32, #tpu.memory_space<vmem>>
      tpu.wait_dma2 semaphore(%dma_wait3A_753 : memref<!tpu.dma_semaphore, #tpu.memory_space<semaphore_mem>>) src(%dma_wait3A_759 : memref<800x32xf32, #tpu.memory_space<vmem>>) dst(%dma_wait3A_755 : memref<800x32xf32, #tpu.memory_space<hbm>>)
      %add3A_760 = arith.constant 4 : i32
      %add3A_761 = arith.addi %add3A_738, %add3A_760 : i32
      %sub3A_762 = arith.constant 1 : i32
      %sub3A_763 = arith.subi %add3A_761, %sub3A_762 : i32
      %mul3A_764 = arith.constant 800 : i32
      %mul3A_765 = arith.muli %sub3A_763, %mul3A_764 : i32
      %dma_start3A_766 = arith.constant 2 : i32
      %dma_start3A_767 = arith.constant 2 : i32
      %dma_start3A_768 = arith.constant 0 : i32
      %dma_start3A_769 = arith.constant 0 : i32
      %dma_start3A_770 = tpu.memref_slice %arg6[%dma_start3A_766, %dma_start3A_768, %dma_start3A_769] : memref<4x800x32xf32, #tpu.memory_space<vmem>> -> memref<1x800x32xf32, #tpu.memory_space<vmem>>
      %dma_start3A_771 = tpu.memref_squeeze %dma_start3A_770 : memref<1x800x32xf32, #tpu.memory_space<vmem>> -> memref<800x32xf32, #tpu.memory_space<vmem>>
      %dma_start3A_772 = tpu.memref_slice %arg5[%mul3A_765] : memref<25600xi32, #tpu.memory_space<vmem>> -> memref<800xi32, #tpu.memory_space<vmem>>
      %dma_start3A_773 = arith.constant 0 : i32
      %dma_start3A_774 = arith.constant 0 : i32
      %dma_start3A_775 = tpu.memref_slice %arg3[%dma_start3A_773, %dma_start3A_774] : memref<1015808x32xf32, #tpu.memory_space<hbm>> -> memref<1015808x32xf32, #tpu.memory_space<hbm>>
      %dma_start3A_776 = tpu.memref_slice %arg7[%dma_start3A_767] : memref<4x!tpu.dma_semaphore, #tpu.memory_space<semaphore_mem>> -> memref<1x!tpu.dma_semaphore, #tpu.memory_space<semaphore_mem>>
      %dma_start3A_777 = tpu.memref_squeeze %dma_start3A_776 : memref<1x!tpu.dma_semaphore, #tpu.memory_space<semaphore_mem>> -> memref<!tpu.dma_semaphore, #tpu.memory_space<semaphore_mem>>
      tpu.enqueue_indirect_dma source(%dma_start3A_775 : memref<1015808x32xf32, #tpu.memory_space<hbm>>) target(%dma_start3A_771 : memref<800x32xf32, #tpu.memory_space<vmem>>) offsets(%dma_start3A_772 : memref<800xi32, #tpu.memory_space<vmem>>) semaphore(%dma_start3A_777 : memref<!tpu.dma_semaphore, #tpu.memory_space<semaphore_mem>>)
      %mul3A_778 = arith.constant 800 : i32
      %mul3A_779 = arith.muli %add3A_738, %mul3A_778 : i32
      %dma_wait3A_780 = arith.constant 3 : i32
      %dma_wait3A_781 = arith.constant 3 : i32
      %dma_wait3A_782 = arith.constant 0 : i32
      %dma_wait3A_783 = arith.constant 0 : i32
      %dma_wait3A_784 = tpu.memref_slice %arg6[%dma_wait3A_780, %dma_wait3A_782, %dma_wait3A_783] : memref<4x800x32xf32, #tpu.memory_space<vmem>> -> memref<1x800x32xf32, #tpu.memory_space<vmem>>
      %dma_wait3A_785 = tpu.memref_squeeze %dma_wait3A_784 : memref<1x800x32xf32, #tpu.memory_space<vmem>> -> memref<800x32xf32, #tpu.memory_space<vmem>>
      %dma_wait3A_786 = tpu.memref_slice %arg5[%mul3A_779] : memref<25600xi32, #tpu.memory_space<vmem>> -> memref<800xi32, #tpu.memory_space<vmem>>
      %dma_wait3A_787 = arith.constant 0 : i32
      %dma_wait3A_788 = arith.constant 0 : i32
      %dma_wait3A_789 = tpu.memref_slice %arg3[%dma_wait3A_787, %dma_wait3A_788] : memref<1015808x32xf32, #tpu.memory_space<hbm>> -> memref<1015808x32xf32, #tpu.memory_space<hbm>>
      %dma_wait3A_790 = tpu.memref_slice %arg7[%dma_wait3A_781] : memref<4x!tpu.dma_semaphore, #tpu.memory_space<semaphore_mem>> -> memref<1x!tpu.dma_semaphore, #tpu.memory_space<semaphore_mem>>
      %dma_wait3A_791 = tpu.memref_squeeze %dma_wait3A_790 : memref<1x!tpu.dma_semaphore, #tpu.memory_space<semaphore_mem>> -> memref<!tpu.dma_semaphore, #tpu.memory_space<semaphore_mem>>
      tpu.wait_indirect_dma semaphore(%dma_wait3A_791 : memref<!tpu.dma_semaphore, #tpu.memory_space<semaphore_mem>>) src(%dma_wait3A_789 : memref<1015808x32xf32, #tpu.memory_space<hbm>>) dst(%dma_wait3A_785 : memref<800x32xf32, #tpu.memory_space<vmem>>)
      %mul3A_792 = arith.constant 800 : i32
      %mul3A_793 = arith.muli %add3A_738, %mul3A_792 : i32
      %add3A_794 = arith.addi %mul3A_2, %mul3A_793 : i32
      %dma_start3A_795 = arith.constant 3 : i32
      %dma_start3A_796 = arith.constant 3 : i32
      %dma_start3A_797 = arith.constant 0 : i32
      %dma_start3A_798 = arith.constant 0 : i32
      %dma_start3A_799 = tpu.memref_slice %arg6[%dma_start3A_795, %dma_start3A_797, %dma_start3A_798] : memref<4x800x32xf32, #tpu.memory_space<vmem>> -> memref<1x800x32xf32, #tpu.memory_space<vmem>>
      %dma_start3A_800 = tpu.memref_squeeze %dma_start3A_799 : memref<1x800x32xf32, #tpu.memory_space<vmem>> -> memref<800x32xf32, #tpu.memory_space<vmem>>
      %dma_start3A_801 = arith.constant 0 : i32
      %dma_start3A_802 = tpu.memref_slice %arg4[%add3A_794, %dma_start3A_801] : memref<819200x32xf32, #tpu.memory_space<hbm>> -> memref<800x32xf32, #tpu.memory_space<hbm>>
      %dma_start3A_803 = tpu.memref_slice %arg8[%dma_start3A_796] : memref<4x!tpu.dma_semaphore, #tpu.memory_space<semaphore_mem>> -> memref<1x!tpu.dma_semaphore, #tpu.memory_space<semaphore_mem>>
      %dma_start3A_804 = tpu.memref_squeeze %dma_start3A_803 : memref<1x!tpu.dma_semaphore, #tpu.memory_space<semaphore_mem>> -> memref<!tpu.dma_semaphore, #tpu.memory_space<semaphore_mem>>
      %dma_start3A_805 = arith.constant 0 : i32
      %dma_start3A_806 = tpu.memref_slice %arg4[%add3A_794, %dma_start3A_805] : memref<819200x32xf32, #tpu.memory_space<hbm>> -> memref<800x32xf32, #tpu.memory_space<hbm>>
      %dma_start3A_807 = arith.constant 0 : i32
      %dma_start3A_808 = arith.constant 0 : i32
      %dma_start3A_809 = tpu.memref_slice %arg6[%dma_start3A_795, %dma_start3A_807, %dma_start3A_808] : memref<4x800x32xf32, #tpu.memory_space<vmem>> -> memref<1x800x32xf32, #tpu.memory_space<vmem>>
      %dma_start3A_810 = tpu.memref_squeeze %dma_start3A_809 : memref<1x800x32xf32, #tpu.memory_space<vmem>> -> memref<800x32xf32, #tpu.memory_space<vmem>>
      tpu.enqueue_dma source(%dma_start3A_810 : memref<800x32xf32, #tpu.memory_space<vmem>>) target(%dma_start3A_806 : memref<800x32xf32, #tpu.memory_space<hbm>>) target_semaphore(%dma_start3A_804 : memref<!tpu.dma_semaphore, #tpu.memory_space<semaphore_mem>>)
      %scan3A_811 = arith.constant 0 : i32
      scf.yield %scan3A_811 : i32
    }
    %scan3A_284 = arith.constant 6 : i32
    %add3A_285 = arith.constant 21600 : i32
    %add3A_286 = arith.addi %mul3A_2, %add3A_285 : i32
    %dma_wait3A_287 = arith.constant 3 : i32
    %dma_wait3A_288 = arith.constant 3 : i32
    %dma_wait3A_289 = arith.constant 0 : i32
    %dma_wait3A_290 = arith.constant 0 : i32
    %dma_wait3A_291 = tpu.memref_slice %arg6[%dma_wait3A_287, %dma_wait3A_289, %dma_wait3A_290] : memref<4x800x32xf32, #tpu.memory_space<vmem>> -> memref<1x800x32xf32, #tpu.memory_space<vmem>>
    %dma_wait3A_292 = tpu.memref_squeeze %dma_wait3A_291 : memref<1x800x32xf32, #tpu.memory_space<vmem>> -> memref<800x32xf32, #tpu.memory_space<vmem>>
    %dma_wait3A_293 = arith.constant 0 : i32
    %dma_wait3A_294 = tpu.memref_slice %arg4[%add3A_286, %dma_wait3A_293] : memref<819200x32xf32, #tpu.memory_space<hbm>> -> memref<800x32xf32, #tpu.memory_space<hbm>>
    %dma_wait3A_295 = tpu.memref_slice %arg8[%dma_wait3A_288] : memref<4x!tpu.dma_semaphore, #tpu.memory_space<semaphore_mem>> -> memref<1x!tpu.dma_semaphore, #tpu.memory_space<semaphore_mem>>
    %dma_wait3A_296 = tpu.memref_squeeze %dma_wait3A_295 : memref<1x!tpu.dma_semaphore, #tpu.memory_space<semaphore_mem>> -> memref<!tpu.dma_semaphore, #tpu.memory_space<semaphore_mem>>
    %dma_wait3A_297 = arith.constant 0 : i32
    %dma_wait3A_298 = tpu.memref_slice %arg4[%add3A_286, %dma_wait3A_297] : memref<819200x32xf32, #tpu.memory_space<hbm>> -> memref<800x32xf32, #tpu.memory_space<hbm>>
    %dma_wait3A_299 = arith.constant 0 : i32
    %dma_wait3A_300 = arith.constant 0 : i32
    %dma_wait3A_301 = tpu.memref_slice %arg6[%dma_wait3A_287, %dma_wait3A_299, %dma_wait3A_300] : memref<4x800x32xf32, #tpu.memory_space<vmem>> -> memref<1x800x32xf32, #tpu.memory_space<vmem>>
    %dma_wait3A_302 = tpu.memref_squeeze %dma_wait3A_301 : memref<1x800x32xf32, #tpu.memory_space<vmem>> -> memref<800x32xf32, #tpu.memory_space<vmem>>
    tpu.wait_dma2 semaphore(%dma_wait3A_296 : memref<!tpu.dma_semaphore, #tpu.memory_space<semaphore_mem>>) src(%dma_wait3A_302 : memref<800x32xf32, #tpu.memory_space<vmem>>) dst(%dma_wait3A_298 : memref<800x32xf32, #tpu.memory_space<hbm>>)
    %dma_start3A_303 = arith.constant 3 : i32
    %dma_start3A_304 = arith.constant 3 : i32
    %dma_start3A_305 = arith.constant 0 : i32
    %dma_start3A_306 = arith.constant 0 : i32
    %dma_start3A_307 = tpu.memref_slice %arg6[%dma_start3A_303, %dma_start3A_305, %dma_start3A_306] : memref<4x800x32xf32, #tpu.memory_space<vmem>> -> memref<1x800x32xf32, #tpu.memory_space<vmem>>
    %dma_start3A_308 = tpu.memref_squeeze %dma_start3A_307 : memref<1x800x32xf32, #tpu.memory_space<vmem>> -> memref<800x32xf32, #tpu.memory_space<vmem>>
    %dma_start3A_309 = arith.constant 24800 : i32
    %dma_start3A_310 = tpu.memref_slice %arg5[%dma_start3A_309] : memref<25600xi32, #tpu.memory_space<vmem>> -> memref<800xi32, #tpu.memory_space<vmem>>
    %dma_start3A_311 = arith.constant 0 : i32
    %dma_start3A_312 = arith.constant 0 : i32
    %dma_start3A_313 = tpu.memref_slice %arg3[%dma_start3A_311, %dma_start3A_312] : memref<1015808x32xf32, #tpu.memory_space<hbm>> -> memref<1015808x32xf32, #tpu.memory_space<hbm>>
    %dma_start3A_314 = tpu.memref_slice %arg7[%dma_start3A_304] : memref<4x!tpu.dma_semaphore, #tpu.memory_space<semaphore_mem>> -> memref<1x!tpu.dma_semaphore, #tpu.memory_space<semaphore_mem>>
    %dma_start3A_315 = tpu.memref_squeeze %dma_start3A_314 : memref<1x!tpu.dma_semaphore, #tpu.memory_space<semaphore_mem>> -> memref<!tpu.dma_semaphore, #tpu.memory_space<semaphore_mem>>
    tpu.enqueue_indirect_dma source(%dma_start3A_313 : memref<1015808x32xf32, #tpu.memory_space<hbm>>) target(%dma_start3A_308 : memref<800x32xf32, #tpu.memory_space<vmem>>) offsets(%dma_start3A_310 : memref<800xi32, #tpu.memory_space<vmem>>) semaphore(%dma_start3A_315 : memref<!tpu.dma_semaphore, #tpu.memory_space<semaphore_mem>>)
    %dma_wait3A_316 = arith.constant 0 : i32
    %dma_wait3A_317 = arith.constant 0 : i32
    %dma_wait3A_318 = arith.constant 0 : i32
    %dma_wait3A_319 = arith.constant 0 : i32
    %dma_wait3A_320 = tpu.memref_slice %arg6[%dma_wait3A_316, %dma_wait3A_318, %dma_wait3A_319] : memref<4x800x32xf32, #tpu.memory_space<vmem>> -> memref<1x800x32xf32, #tpu.memory_space<vmem>>
    %dma_wait3A_321 = tpu.memref_squeeze %dma_wait3A_320 : memref<1x800x32xf32, #tpu.memory_space<vmem>> -> memref<800x32xf32, #tpu.memory_space<vmem>>
    %dma_wait3A_322 = arith.constant 22400 : i32
    %dma_wait3A_323 = tpu.memref_slice %arg5[%dma_wait3A_322] : memref<25600xi32, #tpu.memory_space<vmem>> -> memref<800xi32, #tpu.memory_space<vmem>>
    %dma_wait3A_324 = arith.constant 0 : i32
    %dma_wait3A_325 = arith.constant 0 : i32
    %dma_wait3A_326 = tpu.memref_slice %arg3[%dma_wait3A_324, %dma_wait3A_325] : memref<1015808x32xf32, #tpu.memory_space<hbm>> -> memref<1015808x32xf32, #tpu.memory_space<hbm>>
    %dma_wait3A_327 = tpu.memref_slice %arg7[%dma_wait3A_317] : memref<4x!tpu.dma_semaphore, #tpu.memory_space<semaphore_mem>> -> memref<1x!tpu.dma_semaphore, #tpu.memory_space<semaphore_mem>>
    %dma_wait3A_328 = tpu.memref_squeeze %dma_wait3A_327 : memref<1x!tpu.dma_semaphore, #tpu.memory_space<semaphore_mem>> -> memref<!tpu.dma_semaphore, #tpu.memory_space<semaphore_mem>>
    tpu.wait_indirect_dma semaphore(%dma_wait3A_328 : memref<!tpu.dma_semaphore, #tpu.memory_space<semaphore_mem>>) src(%dma_wait3A_326 : memref<1015808x32xf32, #tpu.memory_space<hbm>>) dst(%dma_wait3A_321 : memref<800x32xf32, #tpu.memory_space<vmem>>)
    %add3A_329 = arith.constant 22400 : i32
    %add3A_330 = arith.addi %mul3A_2, %add3A_329 : i32
    %dma_start3A_331 = arith.constant 0 : i32
    %dma_start3A_332 = arith.constant 0 : i32
    %dma_start3A_333 = arith.constant 0 : i32
    %dma_start3A_334 = arith.constant 0 : i32
    %dma_start3A_335 = tpu.memref_slice %arg6[%dma_start3A_331, %dma_start3A_333, %dma_start3A_334] : memref<4x800x32xf32, #tpu.memory_space<vmem>> -> memref<1x800x32xf32, #tpu.memory_space<vmem>>
    %dma_start3A_336 = tpu.memref_squeeze %dma_start3A_335 : memref<1x800x32xf32, #tpu.memory_space<vmem>> -> memref<800x32xf32, #tpu.memory_space<vmem>>
    %dma_start3A_337 = arith.constant 0 : i32
    %dma_start3A_338 = tpu.memref_slice %arg4[%add3A_330, %dma_start3A_337] : memref<819200x32xf32, #tpu.memory_space<hbm>> -> memref<800x32xf32, #tpu.memory_space<hbm>>
    %dma_start3A_339 = tpu.memref_slice %arg8[%dma_start3A_332] : memref<4x!tpu.dma_semaphore, #tpu.memory_space<semaphore_mem>> -> memref<1x!tpu.dma_semaphore, #tpu.memory_space<semaphore_mem>>
    %dma_start3A_340 = tpu.memref_squeeze %dma_start3A_339 : memref<1x!tpu.dma_semaphore, #tpu.memory_space<semaphore_mem>> -> memref<!tpu.dma_semaphore, #tpu.memory_space<semaphore_mem>>
    %dma_start3A_341 = arith.constant 0 : i32
    %dma_start3A_342 = tpu.memref_slice %arg4[%add3A_330, %dma_start3A_341] : memref<819200x32xf32, #tpu.memory_space<hbm>> -> memref<800x32xf32, #tpu.memory_space<hbm>>
    %dma_start3A_343 = arith.constant 0 : i32
    %dma_start3A_344 = arith.constant 0 : i32
    %dma_start3A_345 = tpu.memref_slice %arg6[%dma_start3A_331, %dma_start3A_343, %dma_start3A_344] : memref<4x800x32xf32, #tpu.memory_space<vmem>> -> memref<1x800x32xf32, #tpu.memory_space<vmem>>
    %dma_start3A_346 = tpu.memref_squeeze %dma_start3A_345 : memref<1x800x32xf32, #tpu.memory_space<vmem>> -> memref<800x32xf32, #tpu.memory_space<vmem>>
    tpu.enqueue_dma source(%dma_start3A_346 : memref<800x32xf32, #tpu.memory_space<vmem>>) target(%dma_start3A_342 : memref<800x32xf32, #tpu.memory_space<hbm>>) target_semaphore(%dma_start3A_340 : memref<!tpu.dma_semaphore, #tpu.memory_space<semaphore_mem>>)
    %add3A_347 = arith.constant 22400 : i32
    %add3A_348 = arith.addi %mul3A_2, %add3A_347 : i32
    %dma_wait3A_349 = arith.constant 0 : i32
    %dma_wait3A_350 = arith.constant 0 : i32
    %dma_wait3A_351 = arith.constant 0 : i32
    %dma_wait3A_352 = arith.constant 0 : i32
    %dma_wait3A_353 = tpu.memref_slice %arg6[%dma_wait3A_349, %dma_wait3A_351, %dma_wait3A_352] : memref<4x800x32xf32, #tpu.memory_space<vmem>> -> memref<1x800x32xf32, #tpu.memory_space<vmem>>
    %dma_wait3A_354 = tpu.memref_squeeze %dma_wait3A_353 : memref<1x800x32xf32, #tpu.memory_space<vmem>> -> memref<800x32xf32, #tpu.memory_space<vmem>>
    %dma_wait3A_355 = arith.constant 0 : i32
    %dma_wait3A_356 = tpu.memref_slice %arg4[%add3A_348, %dma_wait3A_355] : memref<819200x32xf32, #tpu.memory_space<hbm>> -> memref<800x32xf32, #tpu.memory_space<hbm>>
    %dma_wait3A_357 = tpu.memref_slice %arg8[%dma_wait3A_350] : memref<4x!tpu.dma_semaphore, #tpu.memory_space<semaphore_mem>> -> memref<1x!tpu.dma_semaphore, #tpu.memory_space<semaphore_mem>>
    %dma_wait3A_358 = tpu.memref_squeeze %dma_wait3A_357 : memref<1x!tpu.dma_semaphore, #tpu.memory_space<semaphore_mem>> -> memref<!tpu.dma_semaphore, #tpu.memory_space<semaphore_mem>>
    %dma_wait3A_359 = arith.constant 0 : i32
    %dma_wait3A_360 = tpu.memref_slice %arg4[%add3A_348, %dma_wait3A_359] : memref<819200x32xf32, #tpu.memory_space<hbm>> -> memref<800x32xf32, #tpu.memory_space<hbm>>
    %dma_wait3A_361 = arith.constant 0 : i32
    %dma_wait3A_362 = arith.constant 0 : i32
    %dma_wait3A_363 = tpu.memref_slice %arg6[%dma_wait3A_349, %dma_wait3A_361, %dma_wait3A_362] : memref<4x800x32xf32, #tpu.memory_space<vmem>> -> memref<1x800x32xf32, #tpu.memory_space<vmem>>
    %dma_wait3A_364 = tpu.memref_squeeze %dma_wait3A_363 : memref<1x800x32xf32, #tpu.memory_space<vmem>> -> memref<800x32xf32, #tpu.memory_space<vmem>>
    tpu.wait_dma2 semaphore(%dma_wait3A_358 : memref<!tpu.dma_semaphore, #tpu.memory_space<semaphore_mem>>) src(%dma_wait3A_364 : memref<800x32xf32, #tpu.memory_space<vmem>>) dst(%dma_wait3A_360 : memref<800x32xf32, #tpu.memory_space<hbm>>)
    %dma_wait3A_365 = arith.constant 1 : i32
    %dma_wait3A_366 = arith.constant 1 : i32
    %dma_wait3A_367 = arith.constant 0 : i32
    %dma_wait3A_368 = arith.constant 0 : i32
    %dma_wait3A_369 = tpu.memref_slice %arg6[%dma_wait3A_365, %dma_wait3A_367, %dma_wait3A_368] : memref<4x800x32xf32, #tpu.memory_space<vmem>> -> memref<1x800x32xf32, #tpu.memory_space<vmem>>
    %dma_wait3A_370 = tpu.memref_squeeze %dma_wait3A_369 : memref<1x800x32xf32, #tpu.memory_space<vmem>> -> memref<800x32xf32, #tpu.memory_space<vmem>>
    %dma_wait3A_371 = arith.constant 23200 : i32
    %dma_wait3A_372 = tpu.memref_slice %arg5[%dma_wait3A_371] : memref<25600xi32, #tpu.memory_space<vmem>> -> memref<800xi32, #tpu.memory_space<vmem>>
    %dma_wait3A_373 = arith.constant 0 : i32
    %dma_wait3A_374 = arith.constant 0 : i32
    %dma_wait3A_375 = tpu.memref_slice %arg3[%dma_wait3A_373, %dma_wait3A_374] : memref<1015808x32xf32, #tpu.memory_space<hbm>> -> memref<1015808x32xf32, #tpu.memory_space<hbm>>
    %dma_wait3A_376 = tpu.memref_slice %arg7[%dma_wait3A_366] : memref<4x!tpu.dma_semaphore, #tpu.memory_space<semaphore_mem>> -> memref<1x!tpu.dma_semaphore, #tpu.memory_space<semaphore_mem>>
    %dma_wait3A_377 = tpu.memref_squeeze %dma_wait3A_376 : memref<1x!tpu.dma_semaphore, #tpu.memory_space<semaphore_mem>> -> memref<!tpu.dma_semaphore, #tpu.memory_space<semaphore_mem>>
    tpu.wait_indirect_dma semaphore(%dma_wait3A_377 : memref<!tpu.dma_semaphore, #tpu.memory_space<semaphore_mem>>) src(%dma_wait3A_375 : memref<1015808x32xf32, #tpu.memory_space<hbm>>) dst(%dma_wait3A_370 : memref<800x32xf32, #tpu.memory_space<vmem>>)
    %add3A_378 = arith.constant 23200 : i32
    %add3A_379 = arith.addi %mul3A_2, %add3A_378 : i32
    %dma_start3A_380 = arith.constant 1 : i32
    %dma_start3A_381 = arith.constant 1 : i32
    %dma_start3A_382 = arith.constant 0 : i32
    %dma_start3A_383 = arith.constant 0 : i32
    %dma_start3A_384 = tpu.memref_slice %arg6[%dma_start3A_380, %dma_start3A_382, %dma_start3A_383] : memref<4x800x32xf32, #tpu.memory_space<vmem>> -> memref<1x800x32xf32, #tpu.memory_space<vmem>>
    %dma_start3A_385 = tpu.memref_squeeze %dma_start3A_384 : memref<1x800x32xf32, #tpu.memory_space<vmem>> -> memref<800x32xf32, #tpu.memory_space<vmem>>
    %dma_start3A_386 = arith.constant 0 : i32
    %dma_start3A_387 = tpu.memref_slice %arg4[%add3A_379, %dma_start3A_386] : memref<819200x32xf32, #tpu.memory_space<hbm>> -> memref<800x32xf32, #tpu.memory_space<hbm>>
    %dma_start3A_388 = tpu.memref_slice %arg8[%dma_start3A_381] : memref<4x!tpu.dma_semaphore, #tpu.memory_space<semaphore_mem>> -> memref<1x!tpu.dma_semaphore, #tpu.memory_space<semaphore_mem>>
    %dma_start3A_389 = tpu.memref_squeeze %dma_start3A_388 : memref<1x!tpu.dma_semaphore, #tpu.memory_space<semaphore_mem>> -> memref<!tpu.dma_semaphore, #tpu.memory_space<semaphore_mem>>
    %dma_start3A_390 = arith.constant 0 : i32
    %dma_start3A_391 = tpu.memref_slice %arg4[%add3A_379, %dma_start3A_390] : memref<819200x32xf32, #tpu.memory_space<hbm>> -> memref<800x32xf32, #tpu.memory_space<hbm>>
    %dma_start3A_392 = arith.constant 0 : i32
    %dma_start3A_393 = arith.constant 0 : i32
    %dma_start3A_394 = tpu.memref_slice %arg6[%dma_start3A_380, %dma_start3A_392, %dma_start3A_393] : memref<4x800x32xf32, #tpu.memory_space<vmem>> -> memref<1x800x32xf32, #tpu.memory_space<vmem>>
    %dma_start3A_395 = tpu.memref_squeeze %dma_start3A_394 : memref<1x800x32xf32, #tpu.memory_space<vmem>> -> memref<800x32xf32, #tpu.memory_space<vmem>>
    tpu.enqueue_dma source(%dma_start3A_395 : memref<800x32xf32, #tpu.memory_space<vmem>>) target(%dma_start3A_391 : memref<800x32xf32, #tpu.memory_space<hbm>>) target_semaphore(%dma_start3A_389 : memref<!tpu.dma_semaphore, #tpu.memory_space<semaphore_mem>>)
    %add3A_396 = arith.constant 23200 : i32
    %add3A_397 = arith.addi %mul3A_2, %add3A_396 : i32
    %dma_wait3A_398 = arith.constant 1 : i32
    %dma_wait3A_399 = arith.constant 1 : i32
    %dma_wait3A_400 = arith.constant 0 : i32
    %dma_wait3A_401 = arith.constant 0 : i32
    %dma_wait3A_402 = tpu.memref_slice %arg6[%dma_wait3A_398, %dma_wait3A_400, %dma_wait3A_401] : memref<4x800x32xf32, #tpu.memory_space<vmem>> -> memref<1x800x32xf32, #tpu.memory_space<vmem>>
    %dma_wait3A_403 = tpu.memref_squeeze %dma_wait3A_402 : memref<1x800x32xf32, #tpu.memory_space<vmem>> -> memref<800x32xf32, #tpu.memory_space<vmem>>
    %dma_wait3A_404 = arith.constant 0 : i32
    %dma_wait3A_405 = tpu.memref_slice %arg4[%add3A_397, %dma_wait3A_404] : memref<819200x32xf32, #tpu.memory_space<hbm>> -> memref<800x32xf32, #tpu.memory_space<hbm>>
    %dma_wait3A_406 = tpu.memref_slice %arg8[%dma_wait3A_399] : memref<4x!tpu.dma_semaphore, #tpu.memory_space<semaphore_mem>> -> memref<1x!tpu.dma_semaphore, #tpu.memory_space<semaphore_mem>>
    %dma_wait3A_407 = tpu.memref_squeeze %dma_wait3A_406 : memref<1x!tpu.dma_semaphore, #tpu.memory_space<semaphore_mem>> -> memref<!tpu.dma_semaphore, #tpu.memory_space<semaphore_mem>>
    %dma_wait3A_408 = arith.constant 0 : i32
    %dma_wait3A_409 = tpu.memref_slice %arg4[%add3A_397, %dma_wait3A_408] : memref<819200x32xf32, #tpu.memory_space<hbm>> -> memref<800x32xf32, #tpu.memory_space<hbm>>
    %dma_wait3A_410 = arith.constant 0 : i32
    %dma_wait3A_411 = arith.constant 0 : i32
    %dma_wait3A_412 = tpu.memref_slice %arg6[%dma_wait3A_398, %dma_wait3A_410, %dma_wait3A_411] : memref<4x800x32xf32, #tpu.memory_space<vmem>> -> memref<1x800x32xf32, #tpu.memory_space<vmem>>
    %dma_wait3A_413 = tpu.memref_squeeze %dma_wait3A_412 : memref<1x800x32xf32, #tpu.memory_space<vmem>> -> memref<800x32xf32, #tpu.memory_space<vmem>>
    tpu.wait_dma2 semaphore(%dma_wait3A_407 : memref<!tpu.dma_semaphore, #tpu.memory_space<semaphore_mem>>) src(%dma_wait3A_413 : memref<800x32xf32, #tpu.memory_space<vmem>>) dst(%dma_wait3A_409 : memref<800x32xf32, #tpu.memory_space<hbm>>)
    %dma_wait3A_414 = arith.constant 2 : i32
    %dma_wait3A_415 = arith.constant 2 : i32
    %dma_wait3A_416 = arith.constant 0 : i32
    %dma_wait3A_417 = arith.constant 0 : i32
    %dma_wait3A_418 = tpu.memref_slice %arg6[%dma_wait3A_414, %dma_wait3A_416, %dma_wait3A_417] : memref<4x800x32xf32, #tpu.memory_space<vmem>> -> memref<1x800x32xf32, #tpu.memory_space<vmem>>
    %dma_wait3A_419 = tpu.memref_squeeze %dma_wait3A_418 : memref<1x800x32xf32, #tpu.memory_space<vmem>> -> memref<800x32xf32, #tpu.memory_space<vmem>>
    %dma_wait3A_420 = arith.constant 24000 : i32
    %dma_wait3A_421 = tpu.memref_slice %arg5[%dma_wait3A_420] : memref<25600xi32, #tpu.memory_space<vmem>> -> memref<800xi32, #tpu.memory_space<vmem>>
    %dma_wait3A_422 = arith.constant 0 : i32
    %dma_wait3A_423 = arith.constant 0 : i32
    %dma_wait3A_424 = tpu.memref_slice %arg3[%dma_wait3A_422, %dma_wait3A_423] : memref<1015808x32xf32, #tpu.memory_space<hbm>> -> memref<1015808x32xf32, #tpu.memory_space<hbm>>
    %dma_wait3A_425 = tpu.memref_slice %arg7[%dma_wait3A_415] : memref<4x!tpu.dma_semaphore, #tpu.memory_space<semaphore_mem>> -> memref<1x!tpu.dma_semaphore, #tpu.memory_space<semaphore_mem>>
    %dma_wait3A_426 = tpu.memref_squeeze %dma_wait3A_425 : memref<1x!tpu.dma_semaphore, #tpu.memory_space<semaphore_mem>> -> memref<!tpu.dma_semaphore, #tpu.memory_space<semaphore_mem>>
    tpu.wait_indirect_dma semaphore(%dma_wait3A_426 : memref<!tpu.dma_semaphore, #tpu.memory_space<semaphore_mem>>) src(%dma_wait3A_424 : memref<1015808x32xf32, #tpu.memory_space<hbm>>) dst(%dma_wait3A_419 : memref<800x32xf32, #tpu.memory_space<vmem>>)
    %add3A_427 = arith.constant 24000 : i32
    %add3A_428 = arith.addi %mul3A_2, %add3A_427 : i32
    %dma_start3A_429 = arith.constant 2 : i32
    %dma_start3A_430 = arith.constant 2 : i32
    %dma_start3A_431 = arith.constant 0 : i32
    %dma_start3A_432 = arith.constant 0 : i32
    %dma_start3A_433 = tpu.memref_slice %arg6[%dma_start3A_429, %dma_start3A_431, %dma_start3A_432] : memref<4x800x32xf32, #tpu.memory_space<vmem>> -> memref<1x800x32xf32, #tpu.memory_space<vmem>>
    %dma_start3A_434 = tpu.memref_squeeze %dma_start3A_433 : memref<1x800x32xf32, #tpu.memory_space<vmem>> -> memref<800x32xf32, #tpu.memory_space<vmem>>
    %dma_start3A_435 = arith.constant 0 : i32
    %dma_start3A_436 = tpu.memref_slice %arg4[%add3A_428, %dma_start3A_435] : memref<819200x32xf32, #tpu.memory_space<hbm>> -> memref<800x32xf32, #tpu.memory_space<hbm>>
    %dma_start3A_437 = tpu.memref_slice %arg8[%dma_start3A_430] : memref<4x!tpu.dma_semaphore, #tpu.memory_space<semaphore_mem>> -> memref<1x!tpu.dma_semaphore, #tpu.memory_space<semaphore_mem>>
    %dma_start3A_438 = tpu.memref_squeeze %dma_start3A_437 : memref<1x!tpu.dma_semaphore, #tpu.memory_space<semaphore_mem>> -> memref<!tpu.dma_semaphore, #tpu.memory_space<semaphore_mem>>
    %dma_start3A_439 = arith.constant 0 : i32
    %dma_start3A_440 = tpu.memref_slice %arg4[%add3A_428, %dma_start3A_439] : memref<819200x32xf32, #tpu.memory_space<hbm>> -> memref<800x32xf32, #tpu.memory_space<hbm>>
    %dma_start3A_441 = arith.constant 0 : i32
    %dma_start3A_442 = arith.constant 0 : i32
    %dma_start3A_443 = tpu.memref_slice %arg6[%dma_start3A_429, %dma_start3A_441, %dma_start3A_442] : memref<4x800x32xf32, #tpu.memory_space<vmem>> -> memref<1x800x32xf32, #tpu.memory_space<vmem>>
    %dma_start3A_444 = tpu.memref_squeeze %dma_start3A_443 : memref<1x800x32xf32, #tpu.memory_space<vmem>> -> memref<800x32xf32, #tpu.memory_space<vmem>>
    tpu.enqueue_dma source(%dma_start3A_444 : memref<800x32xf32, #tpu.memory_space<vmem>>) target(%dma_start3A_440 : memref<800x32xf32, #tpu.memory_space<hbm>>) target_semaphore(%dma_start3A_438 : memref<!tpu.dma_semaphore, #tpu.memory_space<semaphore_mem>>)
    %add3A_445 = arith.constant 24000 : i32
    %add3A_446 = arith.addi %mul3A_2, %add3A_445 : i32
    %dma_wait3A_447 = arith.constant 2 : i32
    %dma_wait3A_448 = arith.constant 2 : i32
    %dma_wait3A_449 = arith.constant 0 : i32
    %dma_wait3A_450 = arith.constant 0 : i32
    %dma_wait3A_451 = tpu.memref_slice %arg6[%dma_wait3A_447, %dma_wait3A_449, %dma_wait3A_450] : memref<4x800x32xf32, #tpu.memory_space<vmem>> -> memref<1x800x32xf32, #tpu.memory_space<vmem>>
    %dma_wait3A_452 = tpu.memref_squeeze %dma_wait3A_451 : memref<1x800x32xf32, #tpu.memory_space<vmem>> -> memref<800x32xf32, #tpu.memory_space<vmem>>
    %dma_wait3A_453 = arith.constant 0 : i32
    %dma_wait3A_454 = tpu.memref_slice %arg4[%add3A_446, %dma_wait3A_453] : memref<819200x32xf32, #tpu.memory_space<hbm>> -> memref<800x32xf32, #tpu.memory_space<hbm>>
    %dma_wait3A_455 = tpu.memref_slice %arg8[%dma_wait3A_448] : memref<4x!tpu.dma_semaphore, #tpu.memory_space<semaphore_mem>> -> memref<1x!tpu.dma_semaphore, #tpu.memory_space<semaphore_mem>>
    %dma_wait3A_456 = tpu.memref_squeeze %dma_wait3A_455 : memref<1x!tpu.dma_semaphore, #tpu.memory_space<semaphore_mem>> -> memref<!tpu.dma_semaphore, #tpu.memory_space<semaphore_mem>>
    %dma_wait3A_457 = arith.constant 0 : i32
    %dma_wait3A_458 = tpu.memref_slice %arg4[%add3A_446, %dma_wait3A_457] : memref<819200x32xf32, #tpu.memory_space<hbm>> -> memref<800x32xf32, #tpu.memory_space<hbm>>
    %dma_wait3A_459 = arith.constant 0 : i32
    %dma_wait3A_460 = arith.constant 0 : i32
    %dma_wait3A_461 = tpu.memref_slice %arg6[%dma_wait3A_447, %dma_wait3A_459, %dma_wait3A_460] : memref<4x800x32xf32, #tpu.memory_space<vmem>> -> memref<1x800x32xf32, #tpu.memory_space<vmem>>
    %dma_wait3A_462 = tpu.memref_squeeze %dma_wait3A_461 : memref<1x800x32xf32, #tpu.memory_space<vmem>> -> memref<800x32xf32, #tpu.memory_space<vmem>>
    tpu.wait_dma2 semaphore(%dma_wait3A_456 : memref<!tpu.dma_semaphore, #tpu.memory_space<semaphore_mem>>) src(%dma_wait3A_462 : memref<800x32xf32, #tpu.memory_space<vmem>>) dst(%dma_wait3A_458 : memref<800x32xf32, #tpu.memory_space<hbm>>)
    %dma_wait3A_463 = arith.constant 3 : i32
    %dma_wait3A_464 = arith.constant 3 : i32
    %dma_wait3A_465 = arith.constant 0 : i32
    %dma_wait3A_466 = arith.constant 0 : i32
    %dma_wait3A_467 = tpu.memref_slice %arg6[%dma_wait3A_463, %dma_wait3A_465, %dma_wait3A_466] : memref<4x800x32xf32, #tpu.memory_space<vmem>> -> memref<1x800x32xf32, #tpu.memory_space<vmem>>
    %dma_wait3A_468 = tpu.memref_squeeze %dma_wait3A_467 : memref<1x800x32xf32, #tpu.memory_space<vmem>> -> memref<800x32xf32, #tpu.memory_space<vmem>>
    %dma_wait3A_469 = arith.constant 24800 : i32
    %dma_wait3A_470 = tpu.memref_slice %arg5[%dma_wait3A_469] : memref<25600xi32, #tpu.memory_space<vmem>> -> memref<800xi32, #tpu.memory_space<vmem>>
    %dma_wait3A_471 = arith.constant 0 : i32
    %dma_wait3A_472 = arith.constant 0 : i32
    %dma_wait3A_473 = tpu.memref_slice %arg3[%dma_wait3A_471, %dma_wait3A_472] : memref<1015808x32xf32, #tpu.memory_space<hbm>> -> memref<1015808x32xf32, #tpu.memory_space<hbm>>
    %dma_wait3A_474 = tpu.memref_slice %arg7[%dma_wait3A_464] : memref<4x!tpu.dma_semaphore, #tpu.memory_space<semaphore_mem>> -> memref<1x!tpu.dma_semaphore, #tpu.memory_space<semaphore_mem>>
    %dma_wait3A_475 = tpu.memref_squeeze %dma_wait3A_474 : memref<1x!tpu.dma_semaphore, #tpu.memory_space<semaphore_mem>> -> memref<!tpu.dma_semaphore, #tpu.memory_space<semaphore_mem>>
    tpu.wait_indirect_dma semaphore(%dma_wait3A_475 : memref<!tpu.dma_semaphore, #tpu.memory_space<semaphore_mem>>) src(%dma_wait3A_473 : memref<1015808x32xf32, #tpu.memory_space<hbm>>) dst(%dma_wait3A_468 : memref<800x32xf32, #tpu.memory_space<vmem>>)
    %add3A_476 = arith.constant 24800 : i32
    %add3A_477 = arith.addi %mul3A_2, %add3A_476 : i32
    %dma_start3A_478 = arith.constant 3 : i32
    %dma_start3A_479 = arith.constant 3 : i32
    %dma_start3A_480 = arith.constant 0 : i32
    %dma_start3A_481 = arith.constant 0 : i32
    %dma_start3A_482 = tpu.memref_slice %arg6[%dma_start3A_478, %dma_start3A_480, %dma_start3A_481] : memref<4x800x32xf32, #tpu.memory_space<vmem>> -> memref<1x800x32xf32, #tpu.memory_space<vmem>>
    %dma_start3A_483 = tpu.memref_squeeze %dma_start3A_482 : memref<1x800x32xf32, #tpu.memory_space<vmem>> -> memref<800x32xf32, #tpu.memory_space<vmem>>
    %dma_start3A_484 = arith.constant 0 : i32
    %dma_start3A_485 = tpu.memref_slice %arg4[%add3A_477, %dma_start3A_484] : memref<819200x32xf32, #tpu.memory_space<hbm>> -> memref<800x32xf32, #tpu.memory_space<hbm>>
    %dma_start3A_486 = tpu.memref_slice %arg8[%dma_start3A_479] : memref<4x!tpu.dma_semaphore, #tpu.memory_space<semaphore_mem>> -> memref<1x!tpu.dma_semaphore, #tpu.memory_space<semaphore_mem>>
    %dma_start3A_487 = tpu.memref_squeeze %dma_start3A_486 : memref<1x!tpu.dma_semaphore, #tpu.memory_space<semaphore_mem>> -> memref<!tpu.dma_semaphore, #tpu.memory_space<semaphore_mem>>
    %dma_start3A_488 = arith.constant 0 : i32
    %dma_start3A_489 = tpu.memref_slice %arg4[%add3A_477, %dma_start3A_488] : memref<819200x32xf32, #tpu.memory_space<hbm>> -> memref<800x32xf32, #tpu.memory_space<hbm>>
    %dma_start3A_490 = arith.constant 0 : i32
    %dma_start3A_491 = arith.constant 0 : i32
    %dma_start3A_492 = tpu.memref_slice %arg6[%dma_start3A_478, %dma_start3A_490, %dma_start3A_491] : memref<4x800x32xf32, #tpu.memory_space<vmem>> -> memref<1x800x32xf32, #tpu.memory_space<vmem>>
    %dma_start3A_493 = tpu.memref_squeeze %dma_start3A_492 : memref<1x800x32xf32, #tpu.memory_space<vmem>> -> memref<800x32xf32, #tpu.memory_space<vmem>>
    tpu.enqueue_dma source(%dma_start3A_493 : memref<800x32xf32, #tpu.memory_space<vmem>>) target(%dma_start3A_489 : memref<800x32xf32, #tpu.memory_space<hbm>>) target_semaphore(%dma_start3A_487 : memref<!tpu.dma_semaphore, #tpu.memory_space<semaphore_mem>>)
    %add3A_494 = arith.constant 24800 : i32
    %add3A_495 = arith.addi %mul3A_2, %add3A_494 : i32
    %dma_wait3A_496 = arith.constant 3 : i32
    %dma_wait3A_497 = arith.constant 3 : i32
    %dma_wait3A_498 = arith.constant 0 : i32
    %dma_wait3A_499 = arith.constant 0 : i32
    %dma_wait3A_500 = tpu.memref_slice %arg6[%dma_wait3A_496, %dma_wait3A_498, %dma_wait3A_499] : memref<4x800x32xf32, #tpu.memory_space<vmem>> -> memref<1x800x32xf32, #tpu.memory_space<vmem>>
    %dma_wait3A_501 = tpu.memref_squeeze %dma_wait3A_500 : memref<1x800x32xf32, #tpu.memory_space<vmem>> -> memref<800x32xf32, #tpu.memory_space<vmem>>
    %dma_wait3A_502 = arith.constant 0 : i32
    %dma_wait3A_503 = tpu.memref_slice %arg4[%add3A_495, %dma_wait3A_502] : memref<819200x32xf32, #tpu.memory_space<hbm>> -> memref<800x32xf32, #tpu.memory_space<hbm>>
    %dma_wait3A_504 = tpu.memref_slice %arg8[%dma_wait3A_497] : memref<4x!tpu.dma_semaphore, #tpu.memory_space<semaphore_mem>> -> memref<1x!tpu.dma_semaphore, #tpu.memory_space<semaphore_mem>>
    %dma_wait3A_505 = tpu.memref_squeeze %dma_wait3A_504 : memref<1x!tpu.dma_semaphore, #tpu.memory_space<semaphore_mem>> -> memref<!tpu.dma_semaphore, #tpu.memory_space<semaphore_mem>>
    %dma_wait3A_506 = arith.constant 0 : i32
    %dma_wait3A_507 = tpu.memref_slice %arg4[%add3A_495, %dma_wait3A_506] : memref<819200x32xf32, #tpu.memory_space<hbm>> -> memref<800x32xf32, #tpu.memory_space<hbm>>
    %dma_wait3A_508 = arith.constant 0 : i32
    %dma_wait3A_509 = arith.constant 0 : i32
    %dma_wait3A_510 = tpu.memref_slice %arg6[%dma_wait3A_496, %dma_wait3A_508, %dma_wait3A_509] : memref<4x800x32xf32, #tpu.memory_space<vmem>> -> memref<1x800x32xf32, #tpu.memory_space<vmem>>
    %dma_wait3A_511 = tpu.memref_squeeze %dma_wait3A_510 : memref<1x800x32xf32, #tpu.memory_space<vmem>> -> memref<800x32xf32, #tpu.memory_space<vmem>>
    tpu.wait_dma2 semaphore(%dma_wait3A_505 : memref<!tpu.dma_semaphore, #tpu.memory_space<semaphore_mem>>) src(%dma_wait3A_511 : memref<800x32xf32, #tpu.memory_space<vmem>>) dst(%dma_wait3A_507 : memref<800x32xf32, #tpu.memory_space<hbm>>)
    return
  }
}

module attributes {stable_mosaic.version = 14 : i64} {
  func.func @_repack_body(%arg0: i32, %arg1: memref<32x16384xf32, #tpu.memory_space<vmem>>, %arg2: memref<4096x128xf32, #tpu.memory_space<vmem>>) attributes {dimension_semantics = [#tpu.dimension_semantics<arbitrary>], iteration_bounds = array<i64: 62>, scalar_prefetch = 0 : i64, scratch_operands = 0 : i64, tpu.core_type = #tpu.core_type<tc>, window_params = [{transform_indices = @transform_0, window_bounds = array<i64: 32, 16384>}, {transform_indices = @transform_1, window_bounds = array<i64: 4096, 128>}]} {
    %get3A = arith.constant 0 : index
    %get3A_0 = arith.constant 0 : index
    %get3A_1 = vector.load %arg1[%get3A, %get3A_0] : memref<32x16384xf32, #tpu.memory_space<vmem>>, vector<32x16384xf32>
    %transpose3A = tpu.transpose %get3A_1, [1, 0] : vector<32x16384xf32> -> vector<16384x32xf32>
    %slice3A = vector.extract_strided_slice %transpose3A {offsets = [0, 0], sizes = [4096, 32], strides = [1, 1]} : vector<16384x32xf32> to vector<4096x32xf32>
    %slice3A_2 = vector.extract_strided_slice %transpose3A {offsets = [4096, 0], sizes = [4096, 32], strides = [1, 1]} : vector<16384x32xf32> to vector<4096x32xf32>
    %slice3A_3 = vector.extract_strided_slice %transpose3A {offsets = [8192, 0], sizes = [4096, 32], strides = [1, 1]} : vector<16384x32xf32> to vector<4096x32xf32>
    %slice3A_4 = vector.extract_strided_slice %transpose3A {offsets = [12288, 0], sizes = [4096, 32], strides = [1, 1]} : vector<16384x32xf32> to vector<4096x32xf32>
    %concatenate3A = tpu.concatenate %slice3A, %slice3A_2, %slice3A_3, %slice3A_4 in 1 : vector<4096x32xf32>, vector<4096x32xf32>, vector<4096x32xf32>, vector<4096x32xf32> -> vector<4096x128xf32>
    %swap3A = arith.constant 0 : index
    %swap3A_5 = arith.constant 0 : index
    %swap3A_6 = vector.load %arg2[%swap3A, %swap3A_5] : memref<4096x128xf32, #tpu.memory_space<vmem>>, vector<4096x128xf32>
    tpu.vector_store %arg2[%swap3A, %swap3A_5], %concatenate3A {strides = array<i32>} : memref<4096x128xf32, #tpu.memory_space<vmem>>, vector<4096x128xf32>,
    return
  }
  func.func @transform_0(%arg0: i32) -> (i32, i32) {
    %c0_i32 = arith.constant 0 : i32
    %c0_i32_0 = arith.constant 0 : i32
    return %c0_i32, %arg0 : i32, i32
  }
  func.func @transform_1(%arg0: i32) -> (i32, i32) {
    %c0_i32 = arith.constant 0 : i32
    %c0_i32_0 = arith.constant 0 : i32
    return %arg0, %c0_i32 : i32, i32
  }
}

</mosaic_0001>

<sc_bundles>
// kernel: kernel.4.cloned.1.call-start
scs
__scs_entry_jumppad:
0x0: {  	(pc) =	sbr.rel $0x88, $3  }
0x1: {  	(tag) =	ssettag $0x0;
	lr =	simm.s32 $0x1  }
0x2: {  	[smem:$0x3F9F] =	sst lr;
	_ =	strace $0xD0000000  }
0x3: {  	_ = 	snop  }
0x4: {  	_ = 	snop  }
0x5: {  	_ = 	snop  }
0x6: {  	_ = 	snop  }
0x7: {  	_ = 	snop  }
__scs_overlays_trampoline_lowered:
0x8: {  	[smem:$0x3FAE] =	sst s0  }
0x9: {  	[smem:$0x3FAF] =	sst s1  }
0xa: {  	[smem:$0x3FB0] =	sst s2  }
0xb: {  	[smem:$0x3FB1] =	sst s3  }
0xc: {  	[smem:$0x3FB2] =	sst s4  }
0xd: {  	[smem:$0x3FB3] =	sst s5  }
0xe: {  	[smem:$0x3FB4] =	sst s6  }
0xf: {  	[smem:$0x3FB5] =	sst s7  }
0x10: {  	[smem:$0x3FB6] =	sst s8  }
0x11: {  	[smem:$0x3FB7] =	sst s9;
	s0 =	simm.s32 @!p0 $0x0  }
0x12: {  	s1 =	sld [smem:$0x3F9D];
	s0 =	simm.s32 @p0 $0x1  }
0x13: {  	[smem:$0x3FB8] =	sst s0;
	s0 =	simm.s32 @!p1 $0x0  }
0x14: {  	s2 =	sld [smem:$0x3F9C];
	s0 =	simm.s32 @p1 $0x1  }
0x15: {  	[smem:$0x3FB9] =	sst s0;
	s0 =	simm.s32 @!p2 $0x0  }
0x16: {  	s3 =	sld [smem:$0x3FDB];
	s0 =	simm.s32 @p2 $0x1  }
0x17: {  	s4 =	simm.s32 $0x1BF5;
	[smem:$0x3FBB] =	sst s0  }
0x18: {  	s0 =	sld [smem:$0x3F9E];
	_ =	swait.ge [sflag:s4], $0x0  }
0x19: {  	s7 =	sld [smem:$0x3F9F]  }
0x1a: {  	s8 =	sadd.s32 $0xFFFFE003, lr  }
0x1b: {  	s9 =	sadd.s32 $0xFFFFFEF7, lr;
	s5 =	simm.s32 $0xFFFFFFFF;
	p2 =	slt.u32 s8, $0xFFFFF086  }
0x1c: {  	p1 =	slt.u32 s9, $0xF7A;
	s5 =	simm.s32 @!p2 $0x0  }
0x1d: {  	s5 =	simm.s32 @p1 $0x1;
	p0 =	seq.s32 s7, s2  }
0x1e: {  	s7 =	smul.u32 @!p0 $0xF7A, s2;
	p2 =	seq.s32 @!p0 s5, $0x0  }
0x1f: {  	s9 =	smul.u32 $0xF7A, s1;
	s8 =	simm.s32 @!p0 $0x1BF5;
	p2 =	por !p2, p0  }
0x20: {  	[sflag:s8] =	ssyncset.s32 @!p0 $0xFFFFF086;
	s6 =	sadd.s32 @!p0 s3, s7;
	s7 =	simm.s32 @!p0 $0x108  }
0x21: {  	s3 =	sadd.s32 s3, s9;
	s6 =	sadd.s32 @!p0 $0x88, s6;
	s7 =	simm.s32 @p2 $0x1082  }
0x22: {  	[simem:s7], [sflag:s8] =	dma.local @!p0 [hbm:s6], $0xF7A  }
0x23: {  	s9 =	sor.u32 $0xD0000000, s2;
	s6 =	simm.s32 $0x108;
	_ =	swait.ge @!p0 [sflag:s8], $0x0  }
0x24: {  	s3 =	sadd.s32 $0x88, s3;
	s6 =	simm.s32 @!p1 $0x1082;
	[sflag:s4] =	ssyncset.s32 $0xFFFFF086  }
0x25: {  	[simem:s6], [sflag:s4] =	dma.local [hbm:s3], $0xF7A  }
0x26: {  	[smem:$0x3F9F] =	sst s1;
	(tag) =	ssettag s2;
	_ =	strace s9  }
0x27: {  	s1 =	sld [smem:$0x3FAF]  }
0x28: {  	s2 =	sld [smem:$0x3FB0]  }
0x29: {  	s4 =	sld [smem:$0x3FB2]  }
0x2a: {  	p0 =	seq.s32 s5, $0x0;
	s5 =	sld [smem:$0x3FB3]  }
0x2b: {  	s6 =	sld [smem:$0x3FB4]  }
0x2c: {  	s7 =	sld [smem:$0x3FB5]  }
0x2d: {  	s3 =	simm.s32 $0x108;
	s8 =	sld [smem:$0x3FB6]  }
0x2e: {  	s3 =	simm.s32 @!p0 $0x1082;
	s9 =	sld [smem:$0x3FB7]  }
0x2f: {  	lr =	sadd.s32 s0, s3;
	s0 =	sld [smem:$0x3FAE]  }
0x30: {  	s3 =	sld [smem:$0x3FB1]  }
0x31: {  	[smem:$0x3FBA] =	sst s10  }
0x32: {  	s10 =	sld [smem:$0x3FB8];
	_ =	sdelay $0x3  }
0x33: {  	p0 =	seq.s32 s10, $0x1;
	s10 =	sld [smem:$0x3FBA];
	_ =	sdelay $0x3  }
0x34: {  	[smem:$0x3FBA] =	sst s10  }
0x35: {  	s10 =	sld [smem:$0x3FB9];
	_ =	sdelay $0x3  }
0x36: {  	p1 =	seq.s32 s10, $0x1;
	s10 =	sld [smem:$0x3FBA];
	_ =	sdelay $0x3  }
0x37: {  	[smem:$0x3FBA] =	sst s10  }
0x38: {  	s10 =	sld [smem:$0x3FBB]  }
0x39: {  	_ = 	snop;
	(pc) =	sbr.ind lr, $3  }
0x3a: {  	_ = 	snop  }
0x3b: {  	_ = 	snop  }
0x3c: {  	p2 =	seq.s32 s10, $0x1;
	s10 =	sld [smem:$0x3FBA]  }
0x3d: {  	_ =	shalt  }
0x3e: {  	_ =	shalt  }
0x3f: {  	_ =	shalt  }
0x40: {  	_ =	shalt  }
0x41: {  	_ =	shalt  }
0x42: {  	_ =	shalt  }
0x43: {  	_ =	shalt  }
0x44: {  	_ =	shalt  }
0x45: {  	_ =	shalt  }
0x46: {  	_ =	shalt  }
0x47: {  	_ =	shalt  }
0x48: {  	_ =	shalt  }
0x49: {  	_ =	shalt  }
0x4a: {  	_ =	shalt  }
0x4b: {  	_ =	shalt  }
0x4c: {  	_ =	shalt  }
0x4d: {  	_ =	shalt  }
0x4e: {  	_ =	shalt  }
0x4f: {  	_ =	shalt  }
0x50: {  	_ =	shalt  }
0x51: {  	_ =	shalt  }
0x52: {  	_ =	shalt  }
0x53: {  	_ =	shalt  }
0x54: {  	_ =	shalt  }
0x55: {  	_ =	shalt  }
0x56: {  	_ =	shalt  }
0x57: {  	_ =	shalt  }
0x58: {  	_ =	shalt  }
0x59: {  	_ =	shalt  }
0x5a: {  	_ =	shalt  }
0x5b: {  	_ =	shalt  }
0x5c: {  	_ =	shalt  }
0x5d: {  	_ =	shalt  }
0x5e: {  	_ =	shalt  }
0x5f: {  	_ =	shalt  }
0x60: {  	_ =	shalt  }
0x61: {  	_ =	shalt  }
0x62: {  	_ =	shalt  }
0x63: {  	_ =	shalt  }
0x64: {  	_ =	shalt  }
0x65: {  	_ =	shalt  }
0x66: {  	_ =	shalt  }
0x67: {  	_ =	shalt  }
0x68: {  	_ =	shalt  }
0x69: {  	_ =	shalt  }
0x6a: {  	_ =	shalt  }
0x6b: {  	_ =	shalt  }
0x6c: {  	_ =	shalt  }
0x6d: {  	_ =	shalt  }
0x6e: {  	_ =	shalt  }
0x6f: {  	_ =	shalt  }
0x70: {  	_ =	shalt  }
0x71: {  	_ =	shalt  }
0x72: {  	_ =	shalt  }
0x73: {  	_ =	shalt  }
0x74: {  	_ =	shalt  }
0x75: {  	_ =	shalt  }
0x76: {  	_ =	shalt  }
0x77: {  	_ =	shalt  }
0x78: {  	_ =	shalt  }
0x79: {  	_ =	shalt  }
0x7a: {  	_ =	shalt  }
0x7b: {  	_ =	shalt  }
0x7c: {  	_ =	shalt  }
0x7d: {  	_ =	shalt  }
0x7e: {  	_ =	shalt  }
0x7f: {  	_ =	shalt  }
0x80: {  	_ =	shalt  }
0x81: {  	_ =	shalt  }
0x82: {  	_ =	shalt  }
0x83: {  	_ =	shalt  }
0x84: {  	_ =	shalt  }
0x85: {  	_ =	shalt  }
0x86: {  	_ =	shalt  }
0x87: {  	_ =	shalt  }
.Lfunc_end0:
.L_simem_size_0:
called_computation.1_lowered:
.L_overlay_start_0:
0x88: {  	s2 =	sld [smem:$0x3FD9]  }
0x89: {  	s3 =	sld [smem:$0x3FFE];
	_ =	sdelay $0x1  }
0x8a: {  	s1 =	srdreg.scid  }
0x8b: {  	s0 =	sand.u32 $0x1, s1  }
0x8c: {  	s17 =	sshll.u32 s0, $0xA;
	s2 =	sadd.s32 s3, s2  }
0x8d: {  	s2 =	sadd.s32 s2, s17  }
0x8e: {  	[smem:$0x3FC6] =	sst s2  }
0x8f: {  	_ = 	snop  }
0x90: {  	s2 =	sld [smem:$0x3FD0];
	(tm) =	ssettm $0x1  }
0x91: {  	s18 =	sld [smem:$0x3FFB];
	_ =	sdelay $0x3  }
0x92: {  	_ =	strace s18  }
0x93: {  	s3 =	sld [smem:$0x3FFC];
	_ =	sdelay $0x3  }
0x94: {  	_ =	strace s3  }
0x95: {  	s3 =	sld [smem:$0x3FFD];
	_ =	sdelay $0x3  }
0x96: {  	_ =	strace s3  }
0x97: {  	_ =	strace $0x8FFFFFFF  }
0x98: {  	s19 =	sld [smem:$0x3FDB];
	_ =	sdelay $0x1  }
0x99: {  	s4 =	simm.s32 $_scs_section_size  }
0x9a: {  	s5 =	simm.s32 $_size__tile_overlayer_lowered;
	s6 =	simm.s32 $_tile_overlayer_lowered  }
0x9b: {  	s22 =	simm.s32 $0x1BFF;
	s21 =	sshll.u32 s6, $0x1;
	s3 =	sadd.s32 s4, s19  }
0x9c: {  	s7 =	simm.s32 $0x0;
	s20 =	sshll.u32 s5, $0x1;
	s5 =	sadd.s32 s21, s3  }
0x9d: {  	[timem:s7], [sflag:s22] =	dma.local [hbm:s5], s20  }
0x9e: {  	_ =	swait.ge [sflag:s22], s20  }
0x9f: {  	s4 =	ssub.s32 $0x0, s20;
	[sflag:s22] =	ssyncset.done $0x0  }
0xa0: {  	[sflag:s22] =	ssyncadd.s32 s4;
	_ =	sdelay $0x1  }
0xa1: {  	s23 =	simm.s32 $0x1B8B  }
0xa2: {  	_ =	swait.ge [sflag:s23], $0x1  }
0xa3: {  	[sflag:s23] =	ssyncset.done $0x0  }
0xa4: {  	s25 =	simm.s32 $0x1B8E;
	s24 =	sld [smem:$0x3FFE];
	[sflag:s23] =	ssyncadd.s32 $0xFFFFFFFF  }
0xa5: {  	s26 =	simm.s32 $execute0_lowered;
	[smem:$0x3FD2] =	sst s25  }
0xa6: {  	s5 =	sshll.u32 s26, $0x1;
	_ =	strace $0x80000046;
	[dreg:$0x1] =	wrdreg $0xFFFFFFFF  }
0xa7: {  	s28 =	simm.s32 $_size_execute0_lowered;
	s3 =	sadd.s32 s3, s5;
	[dreg:$0x0] =	wrdreg $0x0  }
0xa8: {  	s5 =	sshll.u32 s28, $0x1;
	[dreg:$0x2] =	wrdreg s3  }
0xa9: {  	[dreg:$0x3] =	wrdreg s5  }
0xaa: {  	[dreg:$0x4] =	wrdreg $0xC0  }
0xab: {  	_ =	task [dreg:s7], $0x5FFFF  }
0xac: {  	[dreg:$0x1] =	wrdreg $0xFFFFFFFF  }
0xad: {  	[dreg:$0x0] =	wrdreg $0x60  }
0xae: {  	[dreg:$0x2] =	wrdreg s24  }
0xaf: {  	[dreg:$0x3] =	wrdreg s2  }
0xb0: {  	[dreg:$0x4] =	wrdreg $0x9  }
0xb1: {  	_ =	task.clear_ibuf [dreg:s7], $0x5FFFF;
	_ =	strace $0x90000046  }
0xb2: {  	s29 =	simm.s32 $0x9;
	_ =	strace $0x80000048  }
0xb3: {  	_ =	swait.ge [sflag:s29], $0x1  }
0xb4: {  	[sflag:s29] =	ssyncadd.s32 $0xFFFFFFFF  }
0xb5: {  	_ =	strace $0x90000048  }
0xb6: {  	_ =	sfence  }
0xb7: {  	s30 =	sld [smem:$0x0];
	_ =	sdelay $0x2  }
0xb8: {  	s31 =	sshll.u32 s1, $0xD;
	s1 =	sshrl.u32 s1, $0x2  }
0xb9: {  	s3 =	sand.u32 $0x4000, s31;
	s1 =	sadd.s32 s1, s30  }
0xba: {  	s0 =	sor.u32 s3, s0;
	s1 =	sshll.u32 s1, $0x11  }
0xbb: {  	s0 =	sor.u32 s1, s0  }
0xbc: {  	s0 =	sadd.s32 $0x8F2B, s0  }
0xbd: {  	[sflag:s0] =	ssyncadd.remote.s32 $0x1  }
0xbe: {  	_ =	sfence.sel $0xFFFF  }
0xbf: {  	[dreg:$0x0] =	wrdreg $0xFFFFFFFF;
	(pc) =	sbr.abs _section_cstart, $3  }
0xc0: {  	[dreg:$0x1] =	wrdreg $0xFFFFFFFF  }
0xc1: {  	_ =	task.clear_ibuf [dreg:s7], $0x2FFFF;
	_ =	strace $0x9FFFFFFF  }
0xc2: {  	(tm) =	ssettm $0x7FFFFFFF  }
0xc3: {  	_ =	shalt  }
tec
execute0_lowered:
.L_overlay_start_1:
0x0: {  	(tag) =	ssettag $0x1  }
0x1: {  	s0 =	srdreg.scid;
	s1 =	rddreg [dreg:$0x0]  }
0x2: {  	s9 =	stileid.u32;
	s4 =	rddreg [dreg:$0x1];
	s18 =	simm.s32 $0x9  }
0x3: {  	s19 =	simm.s32 $0x320;
	s20 =	simm.s32 $0x6400;
	s28 =	simm.s32 $0x5  }
0x4: {  	s0 =	sand.u32 $0x1, s0;
	s2 =	sshll.u32 s9, $0x1;
	s9 =	smul.u32 $0xC800, s9  }
0x5: {  	s3 =	sor.u32 s0, s2;
	s7 =	ssub.s32 $0x2, s0;
	s0 =	smul.u32 $0x6400, s0  }
0x6: {  	s30 =	simm.s32 $0x2;
	s31 =	simm.s32 $0x6;
	s5 =	smul.u32 $0x6400, s3  }
0x7: {  	s29 =	simm.s32 $0x4;
	s2 =	simm.s32 $0x0;
	s6 =	smul.u32 $0x19000, s3  }
0x8: {  	[smem:$0x7FF] =	sst s2;
	s8 =	smul.u32 $0xC8000, s3;
	s3 =	sadd.s32 $0x19800, s1  }
0x9: {  	s21 =	sshrl.u32 s7, $0x1;
	_ =	strace $0x80000047;
	s0 =	sadd.s32 s0, s9  }
0xa: {  	s5 =	sshrl.u32 s5, $0x3;
	s22 =	sshrl.u32 s8, $0x3;
	s0 =	sshll.u32 s0, $0x2  }
0xb: {  	s5 =	sadd.s32 s5, s1;
	s1 =	ssub.s32 s7, s21;
	s23 =	sadd.s32 s4, s22  }
0xc: {  	s0 =	sadd.s32 s4, s0;
	s21 =	simm.s32 $0xC800;
	s22 =	simm.s32 $0x7  }
0xd: {  	s5 =	sadd.s32 $0x800, s5;
	s25 =	sadd.s32 $0x1900, s23;
	s26 =	sadd.s32 $0x2580, s23  }
0xe: {  	s9 =	sadd.s32 $0x15E00, s23;
	s10 =	sadd.s32 $0x16A80, s23;
	s11 =	sadd.s32 $0x17700, s23  }
0xf: {  	s12 =	sadd.s32 $0x18380, s23;
	s13 =	smax.u32 s1, $0x1;
	s14 =	sadd.s32 $0x4B00, s0  }
0x10: {  	s15 =	sadd.s32 $0x3E80, s0;
	s16 =	sadd.s32 $0x3200, s0;
	s17 =	sadd.s32 $0x5780, s0  }
0x11: {  	s23 =	simm.s32 $0x12C00;
	s0 =	simm.s32 $0x3;
	[dreg:$0x3] =	wrdreg s5  }
0x12: {  	s1 =	simm.s32 $0x8;
	s5 =	sadd.s32 s4, s6;
	[dreg:$0x5] =	wrdreg s25  }
0x13: {  	[dreg:$0x6] =	wrdreg s26;
	s25 =	simm.s32 $0x19000;
	s24 =	sadd.s32 $0xC80, s5  }
0x14: {  	s26 =	simm.s32 $0x1;
	[dreg:$0x4] =	wrdreg s24;
	s24 =	simm.s32 $0x0  }
.LBB2_1:
0x15: {  	s4 =	rddreg [dreg:$0x3]  }
0x16: {  	[tilespmem:s2], [sflag:$0x9] =	stream.linear.gather [hbm4b:s4+s2], $0x6400, $0x38;
	[tilespmem:$0x1F400] =	vst v63  }
0x17: {  	_ =	swait.ge [sflag:s18], $0x6400  }
0x18: {  	[sflag:s18] =	ssyncset.done $0x0  }
0x19: {  	s6 =	simm.s32 $0x40;
	s4 =	simm.s32 $0x0;
	[sflag:s18] =	ssyncadd.s32 $0xFFFF9C00  }
.LBB2_2:
0x1a: {  	p0 =	sne.s32 s6, $0x18FC0;
	v0 =	vld [tilespmem:s4+$0x0];
	_ =	sdelay $0x4  }
.Ltmp0:
0x1b: {  	v1 =	vshll.u32 v0, $0x2;
	(pc) =	sbr.rel @p0 .LBB2_2-.Ltmp0, $4  }
0x1c: {  	v2 =	vand.u32 $0xFFFFC000, v0;
	v0 =	vshrl.u32 v0, $0xC;
	v1 =	vand.u32 $0x3FFC, v1  }
0x1d: {  	v0 =	vand.u32 $0x3, v0;
	v1 =	vor.u32 v2, v1  }
0x1e: {  	v0 =	vor.u32 v0, v1  }
0x1f: {  	[tilespmem:s4+$0x0] =	vst v0;
	s4 =	sshra.s32 s6, $0x2;
	s6 =	sadd.s32 $0x40, s6  }
0x20: {  	v0 =	vld [tilespmem:s4+$0x0];
	_ =	sdelay $0x4  }
0x21: {  	v1 =	vshll.u32 v0, $0x2  }
0x22: {  	v2 =	vand.u32 $0xFFFFC000, v0;
	v0 =	vshrl.u32 v0, $0xC;
	v1 =	vand.u32 $0x3FFC, v1  }
0x23: {  	v0 =	vand.u32 $0x3, v0;
	v1 =	vor.u32 v2, v1  }
0x24: {  	v0 =	vor.u32 v0, v1  }
0x25: {  	[tilespmem:s4+$0x0] =	vst v0;
	s4 =	simm.s32 $0x0  }
0x26: {  	[tilespmem:s20], [sflag:$0x1] =	stream.indirect.gather [hbm4b:s3+s19], $0x20, s4, s19, $0xb8;
	[tilespmem:$0x1F400] =	vst v63  }
0x27: {  	_ = 	snop  }
0x28: {  	[tilespmem:s21], [sflag:$0x2] =	stream.indirect.gather [hbm4b:s3+s19], $0x20, s19, s19, $0xb8;
	[tilespmem:$0x1F400] =	vst v63  }
0x29: {  	s6 =	simm.s32 $0x640  }
0x2a: {  	[tilespmem:s23], [sflag:$0x3] =	stream.indirect.gather [hbm4b:s3+s19], $0x20, s6, s19, $0xb8;
	[tilespmem:$0x1F400] =	vst v63  }
0x2b: {  	s7 =	simm.s32 $0x960  }
0x2c: {  	[tilespmem:s25], [sflag:$0x4] =	stream.indirect.gather [hbm4b:s3+s19], $0x20, s7, s19, $0xb8;
	[tilespmem:$0x1F400] =	vst v63  }
0x2d: {  	_ =	swait.ge [sflag:s26], $0x6400  }
0x2e: {  	[sflag:s26] =	ssyncset.done $0x0  }
0x2f: {  	[sflag:s26] =	ssyncadd.s32 $0xFFFF9C00  }
0x30: {  	[hbm4b:s5+s4] =	stream.linear.scatter [tilespmem:s20], [sflag:$0x5], $0x6400, $0x38;
	[tilespmem:$0x1F400] =	vst v63  }
0x31: {  	_ =	swait.ge [sflag:s28], $0x6400  }
0x32: {  	[sflag:s28] =	ssyncset.done $0x0  }
0x33: {  	s8 =	simm.s32 $0xC80;
	[sflag:s28] =	ssyncadd.s32 $0xFFFF9C00  }
0x34: {  	[tilespmem:s20], [sflag:$0x1] =	stream.indirect.gather [hbm4b:s3+s19], $0x20, s8, s19, $0xb8;
	[tilespmem:$0x1F400] =	vst v63  }
0x35: {  	_ =	swait.ge [sflag:s30], $0x6400  }
0x36: {  	[sflag:s30] =	ssyncset.done $0x0  }
0x37: {  	s7 =	rddreg [dreg:$0x4];
	[sflag:s30] =	ssyncadd.s32 $0xFFFF9C00  }
0x38: {  	[hbm4b:s7+s4] =	stream.linear.scatter [tilespmem:s21], [sflag:$0x6], $0x6400, $0x38;
	[tilespmem:$0x1F400] =	vst v63  }
0x39: {  	_ =	swait.ge [sflag:s31], $0x6400  }
0x3a: {  	[sflag:s31] =	ssyncset.done $0x0  }
0x3b: {  	s8 =	simm.s32 $0xFA0;
	[sflag:s31] =	ssyncadd.s32 $0xFFFF9C00  }
0x3c: {  	[tilespmem:s21], [sflag:$0x2] =	stream.indirect.gather [hbm4b:s3+s19], $0x20, s8, s19, $0xb8;
	[tilespmem:$0x1F400] =	vst v63  }
0x3d: {  	_ =	swait.ge [sflag:s0], $0x6400  }
0x3e: {  	[sflag:s0] =	ssyncset.done $0x0  }
0x3f: {  	s7 =	rddreg [dreg:$0x5];
	[sflag:s0] =	ssyncadd.s32 $0xFFFF9C00  }
0x40: {  	[hbm4b:s7+s4] =	stream.linear.scatter [tilespmem:s23], [sflag:$0x7], $0x6400, $0x38;
	[tilespmem:$0x1F400] =	vst v63  }
0x41: {  	_ =	swait.ge [sflag:s22], $0x6400  }
0x42: {  	[sflag:s22] =	ssyncset.done $0x0  }
0x43: {  	s8 =	simm.s32 $0x12C0;
	[sflag:s22] =	ssyncadd.s32 $0xFFFF9C00  }
0x44: {  	[tilespmem:s23], [sflag:$0x3] =	stream.indirect.gather [hbm4b:s3+s19], $0x20, s8, s19, $0xb8;
	[tilespmem:$0x1F400] =	vst v63  }
0x45: {  	_ =	swait.ge [sflag:s29], $0x6400  }
0x46: {  	[sflag:s29] =	ssyncset.done $0x0  }
0x47: {  	s7 =	rddreg [dreg:$0x6];
	[sflag:s29] =	ssyncadd.s32 $0xFFFF9C00  }
0x48: {  	[hbm4b:s7+s4] =	stream.linear.scatter [tilespmem:s25], [sflag:$0x8], $0x6400, $0x38;
	[tilespmem:$0x1F400] =	vst v63  }
0x49: {  	_ =	swait.ge [sflag:s1], $0x6400  }
0x4a: {  	[sflag:s1] =	ssyncset.done $0x0  }
0x4b: {  	s8 =	simm.s32 $0x15E0;
	[sflag:s1] =	ssyncadd.s32 $0xFFFF9C00  }
0x4c: {  	[tilespmem:s25], [sflag:$0x4] =	stream.indirect.gather [hbm4b:s3+s19], $0x20, s8, s19, $0xb8;
	[tilespmem:$0x1F400] =	vst v63  }
0x4d: {  	_ =	swait.ge [sflag:s26], $0x6400  }
0x4e: {  	[sflag:s26] =	ssyncset.done $0x0  }
0x4f: {  	s6 =	sadd.s32 $0x0, s16;
	[sflag:s26] =	ssyncadd.s32 $0xFFFF9C00  }
0x50: {  	[hbm4b:s6+s2] =	stream.linear.scatter [tilespmem:s20], [sflag:$0x5], $0x6400, $0x38;
	[tilespmem:$0x1F400] =	vst v63  }
0x51: {  	_ =	swait.ge [sflag:s28], $0x6400  }
0x52: {  	[sflag:s28] =	ssyncset.done $0x0  }
0x53: {  	s7 =	simm.s32 $0x1900;
	[sflag:s28] =	ssyncadd.s32 $0xFFFF9C00  }
0x54: {  	[tilespmem:s20], [sflag:$0x1] =	stream.indirect.gather [hbm4b:s3+s19], $0x20, s7, s19, $0xb8;
	[tilespmem:$0x1F400] =	vst v63  }
0x55: {  	_ =	swait.ge [sflag:s30], $0x6400  }
0x56: {  	[sflag:s30] =	ssyncset.done $0x0  }
0x57: {  	s8 =	sadd.s32 $0x0, s15;
	[sflag:s30] =	ssyncadd.s32 $0xFFFF9C00  }
0x58: {  	[hbm4b:s8+s2] =	stream.linear.scatter [tilespmem:s21], [sflag:$0x6], $0x6400, $0x38;
	[tilespmem:$0x1F400] =	vst v63  }
0x59: {  	_ =	swait.ge [sflag:s31], $0x6400  }
0x5a: {  	[sflag:s31] =	ssyncset.done $0x0  }
0x5b: {  	s6 =	simm.s32 $0x1C20;
	[sflag:s31] =	ssyncadd.s32 $0xFFFF9C00  }
0x5c: {  	[tilespmem:s21], [sflag:$0x2] =	stream.indirect.gather [hbm4b:s3+s19], $0x20, s6, s19, $0xb8;
	[tilespmem:$0x1F400] =	vst v63  }
0x5d: {  	_ =	swait.ge [sflag:s0], $0x6400  }
0x5e: {  	[sflag:s0] =	ssyncset.done $0x0  }
0x5f: {  	s7 =	sadd.s32 $0x0, s14;
	[sflag:s0] =	ssyncadd.s32 $0xFFFF9C00  }
0x60: {  	[hbm4b:s7+s2] =	stream.linear.scatter [tilespmem:s23], [sflag:$0x7], $0x6400, $0x38;
	[tilespmem:$0x1F400] =	vst v63  }
0x61: {  	_ =	swait.ge [sflag:s22], $0x6400  }
0x62: {  	[sflag:s22] =	ssyncset.done $0x0  }
0x63: {  	s8 =	simm.s32 $0x1F40;
	[sflag:s22] =	ssyncadd.s32 $0xFFFF9C00  }
0x64: {  	[tilespmem:s23], [sflag:$0x3] =	stream.indirect.gather [hbm4b:s3+s19], $0x20, s8, s19, $0xb8;
	[tilespmem:$0x1F400] =	vst v63  }
0x65: {  	_ =	swait.ge [sflag:s29], $0x6400  }
0x66: {  	[sflag:s29] =	ssyncset.done $0x0  }
0x67: {  	s4 =	simm.s32 $0x3200;
	s6 =	sadd.s32 $0x0, s17;
	[sflag:s29] =	ssyncadd.s32 $0xFFFF9C00  }
.LBB2_4:
0x68: {  	[hbm4b:s6+s2] =	stream.linear.scatter [tilespmem:s25], [sflag:$0x8], $0x6400, $0x38;
	[tilespmem:$0x1F400] =	vst v63  }
0x69: {  	s6 =	smov.u32 s4  }
0x6a: {  	p0 =	sne.s32 s4, $0xFA00;
	s4 =	sadd.s32 $0x3200, s4;
	_ =	swait.ge [sflag:s1], $0x6400  }
0x6b: {  	s7 =	sshra.s32 s6, $0x2;
	[sflag:s1] =	ssyncset.done $0x0  }
0x6c: {  	s8 =	sadd.s32 $0x15E0, s7;
	[sflag:s1] =	ssyncadd.s32 $0xFFFF9C00  }
0x6d: {  	[tilespmem:s25], [sflag:$0x4] =	stream.indirect.gather [hbm4b:s3+s19], $0x20, s8, s19, $0xb8;
	[tilespmem:$0x1F400] =	vst v63  }
0x6e: {  	_ =	swait.ge [sflag:s26], $0x6400  }
0x6f: {  	[sflag:s26] =	ssyncset.done $0x0  }
0x70: {  	s8 =	sadd.s32 s6, s16;
	[sflag:s26] =	ssyncadd.s32 $0xFFFF9C00  }
0x71: {  	[hbm4b:s8+s2] =	stream.linear.scatter [tilespmem:s20], [sflag:$0x5], $0x6400, $0x38;
	[tilespmem:$0x1F400] =	vst v63  }
0x72: {  	_ =	swait.ge [sflag:s28], $0x6400  }
0x73: {  	[sflag:s28] =	ssyncset.done $0x0  }
0x74: {  	s8 =	sadd.s32 $0x1900, s7;
	[sflag:s28] =	ssyncadd.s32 $0xFFFF9C00  }
0x75: {  	[tilespmem:s20], [sflag:$0x1] =	stream.indirect.gather [hbm4b:s3+s19], $0x20, s8, s19, $0xb8;
	[tilespmem:$0x1F400] =	vst v63  }
0x76: {  	_ =	swait.ge [sflag:s30], $0x6400  }
0x77: {  	[sflag:s30] =	ssyncset.done $0x0  }
0x78: {  	s8 =	sadd.s32 s6, s15;
	[sflag:s30] =	ssyncadd.s32 $0xFFFF9C00  }
0x79: {  	[hbm4b:s8+s2] =	stream.linear.scatter [tilespmem:s21], [sflag:$0x6], $0x6400, $0x38;
	[tilespmem:$0x1F400] =	vst v63  }
0x7a: {  	_ =	swait.ge [sflag:s31], $0x6400  }
0x7b: {  	[sflag:s31] =	ssyncset.done $0x0  }
0x7c: {  	s8 =	sadd.s32 $0x1C20, s7;
	[sflag:s31] =	ssyncadd.s32 $0xFFFF9C00  }
0x7d: {  	[tilespmem:s21], [sflag:$0x2] =	stream.indirect.gather [hbm4b:s3+s19], $0x20, s8, s19, $0xb8;
	[tilespmem:$0x1F400] =	vst v63  }
0x7e: {  	_ =	swait.ge [sflag:s0], $0x6400  }
0x7f: {  	[sflag:s0] =	ssyncset.done $0x0  }
0x80: {  	s8 =	sadd.s32 s6, s14;
	[sflag:s0] =	ssyncadd.s32 $0xFFFF9C00  }
0x81: {  	[hbm4b:s8+s2] =	stream.linear.scatter [tilespmem:s23], [sflag:$0x7], $0x6400, $0x38;
	[tilespmem:$0x1F400] =	vst v63  }
0x82: {  	_ =	swait.ge [sflag:s22], $0x6400  }
0x83: {  	[sflag:s22] =	ssyncset.done $0x0  }
.Ltmp1:
0x84: {  	s7 =	sadd.s32 $0x1F40, s7;
	[sflag:s22] =	ssyncadd.s32 $0xFFFF9C00;
	(pc) =	sbr.rel @p0 .LBB2_4-.Ltmp1, $4  }
0x85: {  	[tilespmem:s23], [sflag:$0x3] =	stream.indirect.gather [hbm4b:s3+s19], $0x20, s7, s19, $0xb8;
	[tilespmem:$0x1F400] =	vst v63  }
0x86: {  	_ =	swait.ge [sflag:s29], $0x6400  }
0x87: {  	[sflag:s29] =	ssyncset.done $0x0  }
0x88: {  	s6 =	sadd.s32 s6, s17;
	[sflag:s29] =	ssyncadd.s32 $0xFFFF9C00  }
0x89: {  	[hbm4b:s6+s2] =	stream.linear.scatter [tilespmem:s25], [sflag:$0x8], $0x6400, $0x38;
	[tilespmem:$0x1F400] =	vst v63  }
0x8a: {  	_ =	swait.ge [sflag:s1], $0x6400  }
0x8b: {  	[sflag:s1] =	ssyncset.done $0x0  }
0x8c: {  	s4 =	simm.s32 $0x60E0;
	[sflag:s1] =	ssyncadd.s32 $0xFFFF9C00  }
0x8d: {  	[tilespmem:s25], [sflag:$0x4] =	stream.indirect.gather [hbm4b:s3+s19], $0x20, s4, s19, $0xb8;
	[tilespmem:$0x1F400] =	vst v63  }
0x8e: {  	_ =	swait.ge [sflag:s26], $0x6400  }
0x8f: {  	[sflag:s26] =	ssyncset.done $0x0  }
0x90: {  	[sflag:s26] =	ssyncadd.s32 $0xFFFF9C00  }
0x91: {  	[hbm4b:s9+s2] =	stream.linear.scatter [tilespmem:s20], [sflag:$0x5], $0x6400, $0x38;
	[tilespmem:$0x1F400] =	vst v63  }
0x92: {  	_ =	swait.ge [sflag:s28], $0x6400  }
0x93: {  	[sflag:s28] =	ssyncset.done $0x0  }
0x94: {  	[sflag:s28] =	ssyncadd.s32 $0xFFFF9C00  }
0x95: {  	_ =	swait.ge [sflag:s30], $0x6400  }
0x96: {  	[sflag:s30] =	ssyncset.done $0x0  }
0x97: {  	[sflag:s30] =	ssyncadd.s32 $0xFFFF9C00  }
0x98: {  	[hbm4b:s10+s2] =	stream.linear.scatter [tilespmem:s21], [sflag:$0x6], $0x6400, $0x38;
	[tilespmem:$0x1F400] =	vst v63  }
0x99: {  	_ =	swait.ge [sflag:s31], $0x6400  }
0x9a: {  	[sflag:s31] =	ssyncset.done $0x0  }
0x9b: {  	[sflag:s31] =	ssyncadd.s32 $0xFFFF9C00  }
0x9c: {  	_ =	swait.ge [sflag:s0], $0x6400  }
0x9d: {  	[sflag:s0] =	ssyncset.done $0x0  }
0x9e: {  	[sflag:s0] =	ssyncadd.s32 $0xFFFF9C00  }
0x9f: {  	[hbm4b:s11+s2] =	stream.linear.scatter [tilespmem:s23], [sflag:$0x7], $0x6400, $0x38;
	[tilespmem:$0x1F400] =	vst v63  }
0xa0: {  	_ =	swait.ge [sflag:s22], $0x6400  }
0xa1: {  	[sflag:s22] =	ssyncset.done $0x0  }
0xa2: {  	[sflag:s22] =	ssyncadd.s32 $0xFFFF9C00  }
0xa3: {  	s24 =	sadd.s32 $0x1, s24;
	_ =	swait.ge [sflag:s29], $0x6400  }
0xa4: {  	p0 =	sne.s32 s24, s13;
	[sflag:s29] =	ssyncset.done $0x0  }
.Ltmp2:
0xa5: {  	[sflag:s29] =	ssyncadd.s32 $0xFFFF9C00;
	(pc) =	sbr.rel @p0 .LBB2_1-.Ltmp2, $4  }
0xa6: {  	[hbm4b:s12+s2] =	stream.linear.scatter [tilespmem:s25], [sflag:$0x8], $0x6400, $0x38;
	[tilespmem:$0x1F400] =	vst v63  }
0xa7: {  	_ =	swait.ge [sflag:s1], $0x6400  }
0xa8: {  	[sflag:s1] =	ssyncset.done $0x0  }
0xa9: {  	[sflag:s1] =	ssyncadd.s32 $0xFFFF9C00  }
0xaa: {  	_ =	sfence.sel $0x180000  }
0xab: {  	[bflag:$0x0] =	sbarrier.arrive $0xFFFF  }
0xac: {  	_ =	strace $0x90000047  }
0xad: {  	s0 =	stileid.u32;
	[bflag:$0x2] =	sbarrier.arrive $0xFFFF  }
0xae: {  	p0 =	sne.s32 s0, $0x0;
	s0 =	rddreg [dreg:$0x2]  }
0xaf: {  	s0 =	sadd.s32 @!p0 $0x100000, s0  }
0xb0: {  	[sflag:s0] =	ssyncadd.tile.s32 @!p0 $0x1;
	_ =	shalt  }
.Lfunc_end2:
_tile_overlayer_lowered:
.L_overlay_start_2:
0xb1: {  	(tag) =	ssettag $0x2  }
0xb2: {  	s0 =	rddreg [dreg:$0x0];
	s2 =	stileid.u32  }
0xb3: {  	s1 =	rddreg [dreg:$0x1];
	p0 =	sne.s32 s2, $0x0  }
0xb4: {  	s3 =	rddreg [dreg:$0x2];
	[bflag:$0x3] =	sbarrier.arrive $0xFFFF;
	s2 =	simm.s32 @!p0 $0x1C09  }
0xb5: {  	[timem:s3], [sflag:s2] =	dma.local @!p0 [hbm:s0], s1  }
0xb6: {  	s0 =	simm.s32 @!p0 $0x9  }
0xb7: {  	_ =	swait.ge @!p0 [sflag:s0], s1  }
0xb8: {  	s1 =	ssub.s32 @!p0 $0x0, s1;
	[sflag:s0] =	ssyncset.done @!p0 $0x0  }
0xb9: {  	[sflag:s0] =	ssyncadd.s32 @!p0 s1  }
0xba: {  	[bflag:$0x3] =	sbarrier.arrive $0xFFFF  }
0xbb: {  	_ =	shalt  }

// kernel: sparse-core-data-format-call.cloned.1.call-start
scs
called_computation_lowered:
.L_overlay_start_0:
0x0: {  	s2 =	sld [smem:$0x3FD9]  }
0x1: {  	s3 =	sld [smem:$0x3FFE];
	_ =	sdelay $0x1  }
0x2: {  	s1 =	srdreg.scid  }
0x3: {  	s0 =	sand.u32 $0x1, s1  }
0x4: {  	s18 =	sshll.u32 s0, $0xA;
	s2 =	sadd.s32 s3, s2  }
0x5: {  	s2 =	sadd.s32 s2, s18  }
0x6: {  	[smem:$0x3FC6] =	sst s2  }
0x7: {  	_ = 	snop  }
0x8: {  	s2 =	sld [smem:$0x3FD0];
	(tm) =	ssettm $0x1  }
0x9: {  	s19 =	sld [smem:$0x3FFB];
	_ =	sdelay $0x3  }
0xa: {  	_ =	strace s19  }
0xb: {  	s3 =	sld [smem:$0x3FFC];
	_ =	sdelay $0x3  }
0xc: {  	_ =	strace s3  }
0xd: {  	s3 =	sld [smem:$0x3FFD];
	_ =	sdelay $0x3  }
0xe: {  	_ =	strace s3  }
0xf: {  	_ =	strace $0x8FFFFFFF  }
0x10: {  	s20 =	sld [smem:$0x3FDB];
	_ =	sdelay $0x1  }
0x11: {  	s4 =	simm.s32 $_scs_section_size  }
0x12: {  	s5 =	simm.s32 $_size__tile_overlayer_lowered;
	s6 =	simm.s32 $_tile_overlayer_lowered  }
0x13: {  	s23 =	simm.s32 $0x1BFF;
	s22 =	sshll.u32 s6, $0x1;
	s3 =	sadd.s32 s4, s20  }
0x14: {  	s7 =	simm.s32 $0x0;
	s21 =	sshll.u32 s5, $0x1;
	s5 =	sadd.s32 s22, s3  }
0x15: {  	[timem:s7], [sflag:s23] =	dma.local [hbm:s5], s21  }
0x16: {  	_ =	swait.ge [sflag:s23], s21  }
0x17: {  	s4 =	ssub.s32 $0x0, s21;
	[sflag:s23] =	ssyncset.done $0x0  }
0x18: {  	[sflag:s23] =	ssyncadd.s32 s4;
	_ =	sdelay $0x1  }
0x19: {  	s24 =	simm.s32 $0x1B8B  }
0x1a: {  	_ =	swait.ge [sflag:s24], $0x1  }
0x1b: {  	[sflag:s24] =	ssyncset.done $0x0  }
0x1c: {  	s26 =	simm.s32 $0x1B8E;
	s25 =	sld [smem:$0x3FFE];
	[sflag:s24] =	ssyncadd.s32 $0xFFFFFFFF  }
0x1d: {  	s27 =	simm.s32 $execute0_lowered;
	[smem:$0x3FD2] =	sst s26  }
0x1e: {  	s5 =	sshll.u32 s27, $0x1;
	_ =	strace $0x80000049;
	[dreg:$0x1] =	wrdreg $0xFFFFFFFF  }
0x1f: {  	s28 =	simm.s32 $_size_execute0_lowered;
	s3 =	sadd.s32 s3, s5;
	[dreg:$0x0] =	wrdreg $0x0  }
0x20: {  	s5 =	sshll.u32 s28, $0x1;
	[dreg:$0x2] =	wrdreg s3  }
0x21: {  	[dreg:$0x3] =	wrdreg s5  }
0x22: {  	[dreg:$0x4] =	wrdreg $0xC0  }
0x23: {  	_ =	task [dreg:s7], $0x5FFFF  }
0x24: {  	[dreg:$0x1] =	wrdreg $0xFFFFFFFF  }
0x25: {  	[dreg:$0x0] =	wrdreg $0x60  }
0x26: {  	[dreg:$0x2] =	wrdreg s25  }
0x27: {  	[dreg:$0x3] =	wrdreg s2  }
0x28: {  	[dreg:$0x4] =	wrdreg $0x9  }
0x29: {  	_ =	task.clear_ibuf [dreg:s7], $0x5FFFF;
	_ =	strace $0x90000049  }
0x2a: {  	s29 =	simm.s32 $0x9;
	_ =	strace $0x8000004B  }
0x2b: {  	_ =	swait.ge [sflag:s29], $0x1  }
0x2c: {  	[sflag:s29] =	ssyncadd.s32 $0xFFFFFFFF  }
0x2d: {  	_ =	strace $0x9000004B  }
0x2e: {  	_ =	sfence  }
0x2f: {  	s30 =	sld [smem:$0x0];
	_ =	sdelay $0x2  }
0x30: {  	s31 =	sshll.u32 s1, $0xD;
	s1 =	sshrl.u32 s1, $0x2  }
0x31: {  	s3 =	sand.u32 $0x4000, s31;
	s1 =	sadd.s32 s1, s30  }
0x32: {  	s0 =	sor.u32 s3, s0;
	s1 =	sshll.u32 s1, $0x11  }
0x33: {  	s0 =	sor.u32 s1, s0  }
0x34: {  	s0 =	sadd.s32 $0x8F2B, s0  }
0x35: {  	[sflag:s0] =	ssyncadd.remote.s32 $0x1  }
0x36: {  	_ =	sfence.sel $0xFFFF  }
0x37: {  	[dreg:$0x0] =	wrdreg $0xFFFFFFFF;
	(pc) =	sbr.abs _section_cstart, $3  }
0x38: {  	[dreg:$0x1] =	wrdreg $0xFFFFFFFF  }
0x39: {  	_ =	task.clear_ibuf [dreg:s7], $0x2FFFF;
	_ =	strace $0x9FFFFFFF  }
0x3a: {  	(tm) =	ssettm $0x7FFFFFFF  }
0x3b: {  	_ =	shalt  }
tec
execute0_lowered:
.L_overlay_start_1:
0x0: {  	(tag) =	ssettag $0x1  }
0x1: {  	s0 =	srdreg.scid  }
0x2: {  	s1 =	sshll.u32 s0, $0x4  }
0x3: {  	s0 =	stileid.u32;
	s1 =	sand.u32 $0x10, s1  }
0x4: {  	s1 =	sor.u32 s0, s1  }
0x5: {  	s6 =	rddreg [dreg:$0x0];
	s4 =	simm.s32 $0x1;
	s2 =	sshll.u32 s1, $0x7  }
0x6: {  	s7 =	simm.s32 $0x2;
	s12 =	simm.s32 $0x0;
	s1 =	ssub.s32 $0x1000, s2  }
0x7: {  	s8 =	simm.s32 $0x8000;
	s13 =	simm.s32 $0x0;
	s3 =	sand.u32 $0xF80, s1  }
0x8: {  	s9 =	simm.s32 $0x0;
	s5 =	sshrl.u32 s1, $0xC;
	p0 =	sne.s32 s3, $0x0  }
.Ltmp0:
0x9: {  	s1 =	rddreg [dreg:$0x2];
	s4 =	simm.s32 @!p0 $0x0;
	(pc) =	sbr.rel .LBB1_1-.Ltmp0, $4  }
0xa: {  	s11 =	simm.s32 $0x0;
	s3 =	rddreg [dreg:$0x1];
	s5 =	sadd.s32 s4, s5  }
0xb: {  	_ =	strace $0x8000004A;
	s4 =	simm.s32 $0x1;
	s5 =	smul.u32 $0xC8, s5  }
0xc: {  	s6 =	sadd.s32 $0x800, s6;
	s10 =	smov.u32 s2;
	[sflag:s4] =	ssyncpa.u1 $0x0  }
0xd: {  	p0 =	por $0x0, $0x0;
	[sflag:s7] =	ssyncpa.u1 $0x0;
	s7 =	sor.u32 $0x1, s5  }
.LBB1_4:
0xe: {  	s16 =	sshll.u32 s13, $0x3;
	s17 =	sand.u32 $0x78, s13  }
0xf: {  	s30 =	sand.u32 $0x3E00, s13;
	s12 =	sshll.u32 s12, $0xE;
	s16 =	sand.u32 $0xC00, s16  }
0x10: {  	s31 =	sand.u32 $0x7, s13;
	s16 =	sor.u32 s17, s16;
	s17 =	sadd.s32 s3, s30  }
0x11: {  	s13 =	sshll.u32 s31, $0x12;
	s16 =	sshrl.u32 s16, $0x3;
	s12 =	sadd.s32 s12, s17  }
0x12: {  	[tilespmem:s15+$0x0 ss:$0x81] =	vst.msk $0xffff, v0;
	s13 =	sor.u32 $0x400, s13;
	s12 =	sadd.s32 s16, s12  }
0x13: {  	[hbm4b:s12+s13] =	stream.strided.scatter [tilespmem:s14], [sflag:$0x2], $0x1000, s8, s13, $0x20;
	[tilespmem:$0x4040] =	vst v63  }
.LBB1_5:
0x14: {  	s14 =	sadd.s32 $0x1, s9  }
0x15: {  	s12 =	sadd.s32 $0x1000, s10;
	s16 =	smov.u32 s10;
	p2 =	sgt.s32 s14, $0xC7  }
0x16: {  	s16 =	smov.u32 @p2 s12  }
0x17: {  	s14 =	simm.s32 @p2 $0x0;
	p2 =	sgt.s32 s16, $0xFFF  }
0x18: {  	s16 =	smov.u32 @p2 s2;
	p2 =	sne.s32 s11, s7  }
.Ltmp1:
0x19: {  	p1 =	slt.u32 s11, $0x2;
	(pc) =	sbr.rel @!p2 .LBB1_6-.Ltmp1, $4  }
0x1a: {  	s15 =	simm.s32 @!p1 $0x2  }
0x1b: {  	s13 =	smov.u32 s10;
	p0 =	por !p0, !p0;
	_ =	swait.ge @!p1 [sflag:s15], $0x1000  }
0x1c: {  	s12 =	smov.u32 s9;
	[sflag:s15] =	ssyncset.done @!p1 $0x0;
	s9 =	smov.u32 s14  }
0x1d: {  	s11 =	sadd.s32 $0x1, s11;
	[sflag:s15] =	ssyncadd.s32 @!p1 $0xFFFFF000;
	s10 =	smov.u32 s16  }
.LBB1_1:
0x1e: {  	p1 =	sge.u32 s11, s5  }
0x1f: {  	s14 =	sand.u32 @!p1 $0x1FFFFFF, s9  }
0x20: {  	s15 =	smulhi.u32 @!p1 $0x147AE15, s14;
	_ =	sdelay $0x1  }
0x21: {  	s15 =	smul.u32 @!p1 $0xC8, s15  }
0x22: {  	s16 =	sxor.u32 @!p1 $0xFFFFFFFF, s11;
	s17 =	smul.u32 @!p1 $0xC80, s10  }
0x23: {  	s31 =	sadd.s32 $0xFFFFFFFF, s11;
	s16 =	sshll.u32 @!p1 s16, $0xC;
	s14 =	ssub.s32 @!p1 s14, s15  }
0x24: {  	s15 =	sand.u32 @!p1 $0x1000, s16;
	s16 =	sadd.s32 @!p1 s6, s17;
	s14 =	sshll.u32 @!p1 s14, $0x4  }
0x25: {  	s17 =	simm.s32 @!p1 $0x6400;
	s14 =	sadd.s32 @!p1 s14, s16;
	s16 =	simm.s32 @!p1 $0x20  }
0x26: {  	[tilespmem:s15], [sflag:$0x1] =	stream.strided.gather @!p1 [hbm4b:s14+s16], $0x1000, s17, s16, $0x38;
	[tilespmem:$0x4040] =	vst v63  }
0x27: {  	p1 =	sge.u32 s31, s5  }
.Ltmp2:
0x28: {  	_ = 	snop;
	(pc) =	sbr.rel @p1 .LBB1_5-.Ltmp2, $1  }
0x29: {  	_ =	sdelay $0x3  }
0x2a: {  	s14 =	simm.s32 $0x1  }
0x2b: {  	_ =	swait.ge [sflag:s4], $0x1000;
	s14 =	simm.s32 @!p0 $0x0  }
0x2c: {  	[sflag:s4] =	ssyncset.done $0x0;
	s15 =	sshll.u32 s14, $0xC  }
0x2d: {  	[sflag:s4] =	ssyncadd.s32 $0xFFFFF000;
	s18 =	sor.u32 $0x10, s15  }
0x2e: {  	s14 =	smul.u32 $0x4080, s14;
	v1 =	vld [tilespmem:s18+$0x0]  }
0x2f: {  	s30 =	sand.u32 $0x1, s11;
	v0 =	vld [tilespmem:s18+$0xFFFFFFF0]  }
0x30: {  	s15 =	smul.u32 $0x4080, s30;
	s14 =	sshrl.u32 s14, $0x2  }
0x31: {  	s16 =	sor.u32 $0x2000, s14  }
0x32: {  	s31 =	sshrl.u32 s15, $0x2;
	s15 =	sadd.s32 $0x0, s16  }
0x33: {  	s17 =	simm.s32 $0x4;
	s18 =	sadd.s32 $0x20, s18;
	s14 =	sor.u32 $0x2000, s31;
	[tilespmem:s15+$0x810 ss:$0x81] =	vst.msk $0xffff, v1  }
.LBB1_3:
0x34: {  	v1 =	vld [tilespmem:s18+$0x0];
	p1 =	sne.s32 s17, $0x1FC;
	[tilespmem:s15+$0x0 ss:$0x81] =	vst.msk $0xffff, v0;
	s15 =	smov.u32 s17;
	s17 =	sadd.s32 $0x4, s17  }
.Ltmp3:
0x35: {  	v0 =	vld [tilespmem:s18+$0xFFFFFFF0];
	(pc) =	sbr.rel @p1 .LBB1_3-.Ltmp3, $4  }
0x36: {  	_ = 	snop  }
0x37: {  	s15 =	sshra.s32 s15, $0x2  }
0x38: {  	s15 =	sadd.s32 s15, s16  }
0x39: {  	s18 =	sadd.s32 $0x20, s18;
	[tilespmem:s15+$0x810 ss:$0x81] =	vst.msk $0xffff, v1  }
.Ltmp4:
0x3a: {  	_ = 	snop;
	(pc) =	sbr.rel .LBB1_4-.Ltmp4, $1  }
0x3b: {  	_ =	sdelay $0x3  }
.LBB1_6:
0x3c: {  	_ =	sfence.sel $0x180000  }
0x3d: {  	s2 =	simm.s32 $0x1;
	[bflag:$0x0] =	sbarrier.arrive $0xFFFF  }
0x3e: {  	s31 =	simm.s32 $0x2;
	[sflag:s2] =	ssyncpa.u1 $0x1  }
0x3f: {  	[sflag:s31] =	ssyncpa.u1 $0x1  }
0x40: {  	p0 =	sne.s32 s0, $0x0;
	_ =	strace $0x9000004A  }
0x41: {  	s0 =	sadd.s32 @!p0 $0x100000, s1;
	[bflag:$0x2] =	sbarrier.arrive $0xFFFF  }
0x42: {  	[sflag:s0] =	ssyncadd.tile.s32 @!p0 $0x1;
	_ =	shalt  }
.Lfunc_end1:
_tile_overlayer_lowered:
.L_overlay_start_2:
0x43: {  	(tag) =	ssettag $0x2  }
0x44: {  	s0 =	rddreg [dreg:$0x0];
	s2 =	stileid.u32  }
0x45: {  	s1 =	rddreg [dreg:$0x1];
	p0 =	sne.s32 s2, $0x0  }
0x46: {  	s3 =	rddreg [dreg:$0x2];
	[bflag:$0x3] =	sbarrier.arrive $0xFFFF;
	s2 =	simm.s32 @!p0 $0x1C01  }
0x47: {  	[timem:s3], [sflag:s2] =	dma.local @!p0 [hbm:s0], s1  }
0x48: {  	s0 =	simm.s32 @!p0 $0x1  }
0x49: {  	_ =	swait.ge @!p0 [sflag:s0], s1  }
0x4a: {  	s1 =	ssub.s32 @!p0 $0x0, s1;
	[sflag:s0] =	ssyncset.done @!p0 $0x0  }
0x4b: {  	[sflag:s0] =	ssyncadd.s32 @!p0 s1  }
0x4c: {  	[bflag:$0x3] =	sbarrier.arrive $0xFFFF  }
0x4d: {  	_ =	shalt  }

</sc_bundles>
